<compile_context>
chip_gen: v7x
topology: tpu7x:2x2x1
jax: 0.10.2.dev20260603
libtpu: 0.0.44.dev20260713+nightly
codegen_flags: <defaults>
</compile_context>

<pallas_src>
import functools

import jax
import jax.numpy as jnp
import numpy as np
from jax import lax
from jax.experimental import pallas as pl
from jax.experimental.pallas import tpu as pltpu
from jax.experimental.pallas import tpu_sc as plsc

B = 4096
L = 200
D = 64
DW = D // 2
C = 1000
C_PAD = 1024

V = 1000000
VBLK = 32768
VSUB = VBLK // 4
NBLK = (V + VBLK - 1) // VBLK
V_PAD = NBLK * VBLK

NC, NS = 2, 16
NW = NC * NS
PER_W = B // NW
CE = 4
CHUNK_R = CE * L
NCHUNK = PER_W // CE

_PERM = np.concatenate(
    [np.arange(0, 16), np.arange(32, 48), np.arange(16, 32), np.arange(48, 64)]
)


def _tc_pack(table_t):

    def body(x_ref, o_ref):
        u = lax.bitcast_convert_type(x_ref[...], jnp.uint32)
        lo = (u[:DW, :] + 0x8000) >> 16
        hi = (u[DW:, :] + 0x8000) & jnp.uint32(0xFFFF0000)
        p = lo | hi
        y = jnp.concatenate(
            [p[:, VSUB * c:VSUB * (c + 1)] for c in range(4)], axis=0
        )
        o_ref[...] = lax.bitcast_convert_type(
            lax.transpose(y, (1, 0)), jnp.int32
        )

    return pl.pallas_call(
        body,
        grid=(NBLK,),
        in_specs=[pl.BlockSpec((D, VBLK), lambda i: (0, i))],
        out_specs=pl.BlockSpec((VSUB, 128), lambda i: (i, 0)),
        out_shape=jax.ShapeDtypeStruct((NBLK * VSUB, 128), jnp.int32),
    )(table_t)


def _sc_sums(x_flat, tab32):
    mesh = plsc.VectorSubcoreMesh(
        core_axis_name="c", subcore_axis_name="s", num_cores=NC, num_subcores=NS
    )

    @functools.partial(
        pl.kernel,
        out_type=jax.ShapeDtypeStruct((B, D), jnp.float32),
        mesh=mesh,
        scratch_types=[
            pltpu.VMEM((CHUNK_R,), jnp.int32),
            pltpu.VMEM((CHUNK_R,), jnp.int32),
            pltpu.VMEM((CHUNK_R,), jnp.int32),
            pltpu.VMEM((CHUNK_R,), jnp.int32),
            pltpu.VMEM((CHUNK_R, DW), jnp.int32),
            pltpu.VMEM((CHUNK_R, DW), jnp.int32),
            pltpu.VMEM((PER_W, D), jnp.float32),
            pltpu.SemaphoreType.DMA,
            pltpu.SemaphoreType.DMA,
            pltpu.SemaphoreType.DMA,
            pltpu.SemaphoreType.DMA,
        ],
        compiler_params=pltpu.CompilerParams(use_tc_tiling_on_sc=False),
    )
    def k(x_hbm, tab_hbm, out_hbm, raw0, raw1, idx0, idx1, rows0, rows1,
          acc_v, semg0, semg1, semi0, semi1):
        wid = lax.axis_index("s") * NC + lax.axis_index("c")
        base_e = wid * PER_W
        raw_b = (raw0, raw1)
        idx_b = (idx0, idx1)
        rows_b = (rows0, rows1)
        semg_b = (semg0, semg1)
        semi_b = (semi0, semi1)

        def fetch_idx(g, b):
            pltpu.async_copy(
                x_hbm.at[pl.ds(base_e * L + g * CHUNK_R, CHUNK_R)],
                raw_b[b], semi_b[b],
            )

        def launch(g, b):
            raw, idx = raw_b[b], idx_b[b]
            pltpu.make_async_copy(
                x_hbm.at[pl.ds(base_e * L + g * CHUNK_R, CHUNK_R)],
                raw, semi_b[b],
            ).wait()

            def tr_body(j, carry):
                r = raw[pl.ds(16 * j, 16)]
                idx[pl.ds(16 * j, 16)] = (
                    (r & ~(VBLK - 1))
                    | ((r & (VSUB - 1)) << 2)
                    | ((r >> 13) & 3)
                )
                return carry

            lax.fori_loop(0, CHUNK_R // 16, tr_body, 0)
            pltpu.async_copy(tab_hbm.at[idx], rows_b[b], semg_b[b])

        def accum(g, b):
            rows = rows_b[b]

            def l_body(li, accs):
                out = list(accs)
                for e in range(CE):
                    for j in range(2):
                        for q in range(2):
                            v = rows[e * L + 2 * li + j, pl.ds(16 * q, 16)]
                            lo = lax.bitcast_convert_type(v * 65536, jnp.float32)
                            hi = lax.bitcast_convert_type(v, jnp.float32)
                            out[4 * e + 2 * q] = out[4 * e + 2 * q] + lo
                            out[4 * e + 2 * q + 1] = (
                                out[4 * e + 2 * q + 1] + hi
                            )
                return tuple(out)

            zeros = tuple(jnp.zeros((16,), jnp.float32) for _ in range(4 * CE))
            accs = lax.fori_loop(0, L // 2, l_body, zeros)
            for e in range(CE):
                for p in range(4):
                    acc_v[g * CE + e, pl.ds(16 * p, 16)] = accs[4 * e + p]

        fetch_idx(0, 0)
        fetch_idx(1, 1)
        launch(0, 0)
        fetch_idx(2, 0)
        launch(1, 1)
        fetch_idx(3, 1)

        def pair_body(gp, carry):
            for b in range(2):
                g = 2 * gp + b
                pltpu.make_async_copy(
                    tab_hbm.at[idx_b[b]], rows_b[b], semg_b[b]
                ).wait()
                accum(g, b)

                @pl.when(g + 2 < NCHUNK)
                def _():
                    launch(g + 2, b)

                @pl.when(g + 4 < NCHUNK)
                def _():
                    fetch_idx(g + 4, b)

            return carry

        lax.fori_loop(0, NCHUNK // 2, pair_body, 0)
        pltpu.sync_copy(acc_v, out_hbm.at[pl.ds(base_e, PER_W)])

    return k(x_flat, tab32)


def _tc_head(sums, w_perm, b_col):

    def body(w_ref, x_ref, b_ref, o_ref):
        x = x_ref[...] * jnp.float32(1.0 / L)
        o_ref[...] = (
            lax.dot_general(
                w_ref[...], x, (((1,), (1,)), ((), ())),
                preferred_element_type=jnp.float32,
            )
            + b_ref[...]
        )

    mblk = 512
    return pl.pallas_call(
        body,
        grid=(B // mblk,),
        in_specs=[
            pl.BlockSpec((C, D), lambda i: (0, 0)),
            pl.BlockSpec((mblk, D), lambda i: (i, 0)),
            pl.BlockSpec((C, 1), lambda i: (0, 0)),
        ],
        out_specs=pl.BlockSpec((C, mblk), lambda i: (0, i)),
        out_shape=jax.ShapeDtypeStruct((C, B), jnp.float32),
    )(w_perm, sums, b_col)


def kernel(x_data, table, W, b):
    x_flat = x_data.reshape(-1).astype(jnp.int32)
    packed = _tc_pack(table.T)
    tab32 = packed.reshape(NBLK * VBLK, DW)
    sums = _sc_sums(x_flat, tab32)
    pred_t = _tc_head(sums, W[:, _PERM], b.reshape(C, 1))
    return pred_t.T

# --- scband reference (transcript-rebuilt; emitter-appended) ---
"""Pipeline reference for scband-fast-text-classifier-27436251086887 (READ-ONLY COPY).

The authoritative reference and input builder live on the scoring server;
editing this copy changes nothing except your own understanding.
"""

import jax, jax.numpy as jnp
import numpy as np

VOCAB = 1000000
EMBED_DIM = 64
N_CLASSES = 1000
BATCH = 4096
SEQ = 200
PADDING_IDX = 0

def setup_inputs(seed: int = 0) -> dict:
    key = jax.random.key(seed)
    k1, k2, k3 = jax.random.split(key, 3)
    x_data = jax.random.randint(k1, (BATCH, SEQ), 0, VOCAB, dtype=jnp.int64 if jax.config.jax_enable_x64 else jnp.int32)
    table = jax.random.normal(k2, (VOCAB, EMBED_DIM), dtype=jnp.float32)
    # nn.Embedding with padding_idx zeroes the padding row at init
    table = table.at[PADDING_IDX].set(0.0)
    W = jax.random.normal(k3, (N_CLASSES, EMBED_DIM), dtype=jnp.float32) * 0.02
    b = jnp.zeros((N_CLASSES,), dtype=jnp.float32)
    return {"x_data": x_data, "table": table, "W": W, "b": b}

def reference(x_data, table, W, b):
    # embedding lookup: [B, L] -> [B, L, D]
    embed_data = jnp.take(table, x_data, axis=0)
    # F.avg_pool2d(embed, (L, 1)).squeeze(1) on a 3D tensor == mean over the L axis
    inter_vec = jnp.mean(embed_data, axis=1)
    # Linear: [B, D] @ [D, C] + [C]
    pred = inter_vec @ W.T + b
    return pred

if __name__ == "__main__":
    import jax
    _d = setup_inputs()
    print(jax.jit(kernel)(*tuple(_d.values())))

</pallas_src>

<mosaic_0001>
#map = affine_map<(d0, d1) -> (0)>
#map1 = affine_map<(d0, d1) -> (0, 0)>
module attributes {stable_mosaic.version = 14 : i64} {
  func.func @k(%arg0: i32, %arg1: i32, %arg2: memref<819200xi32, #tpu.memory_space<hbm>>, %arg3: memref<1015808x32xi32, #tpu.memory_space<hbm>>, %arg4: memref<4096x64xf32, #tpu.memory_space<hbm>>, %arg5: memref<800xi32, #tpu.memory_space<vmem>>, %arg6: memref<800xi32, #tpu.memory_space<vmem>>, %arg7: memref<800xi32, #tpu.memory_space<vmem>>, %arg8: memref<800xi32, #tpu.memory_space<vmem>>, %arg9: memref<800x32xi32, #tpu.memory_space<vmem>>, %arg10: memref<800x32xi32, #tpu.memory_space<vmem>>, %arg11: memref<128x64xf32, #tpu.memory_space<vmem>>, %arg12: memref<!tpu.dma_semaphore, #tpu.memory_space<semaphore_mem>>, %arg13: memref<!tpu.dma_semaphore, #tpu.memory_space<semaphore_mem>>, %arg14: memref<!tpu.dma_semaphore, #tpu.memory_space<semaphore_mem>>, %arg15: memref<!tpu.dma_semaphore, #tpu.memory_space<semaphore_mem>>) attributes {dimension_semantics = [#tpu.dimension_semantics<core_parallel>, #tpu.dimension_semantics<subcore_parallel>], iteration_bounds = array<i64: 2, 16>, scalar_prefetch = 0 : i64, scratch_operands = 11 : i64, tpu.core_type = #tpu.core_type<sc_vector_subcore>, window_params = [{transform_indices = #map}, {transform_indices = #map1}, {transform_indices = #map1}]} {
    %mul3A = arith.constant 2 : i32
    %mul3A_0 = arith.muli %arg1, %mul3A : i32
    %add3A = arith.addi %mul3A_0, %arg0 : i32
    %mul3A_1 = arith.constant 128 : i32
    %mul3A_2 = arith.muli %add3A, %mul3A_1 : i32
    %mul3A_3 = arith.constant 200 : i32
    %mul3A_4 = arith.muli %mul3A_2, %mul3A_3 : i32
    %add3A_5 = arith.constant 0 : i32
    %add3A_6 = arith.addi %mul3A_4, %add3A_5 : i32
    %dma_start3A = tpu.memref_slice %arg2[%add3A_6] : memref<819200xi32, #tpu.memory_space<hbm>> -> memref<800xi32, #tpu.memory_space<hbm>>
    %dma_start3A_7 = tpu.memref_slice %arg2[%add3A_6] : memref<819200xi32, #tpu.memory_space<hbm>> -> memref<800xi32, #tpu.memory_space<hbm>>
    tpu.enqueue_dma source(%dma_start3A_7 : memref<800xi32, #tpu.memory_space<hbm>>) target(%arg5 : memref<800xi32, #tpu.memory_space<vmem>>) target_semaphore(%arg14 : memref<!tpu.dma_semaphore, #tpu.memory_space<semaphore_mem>>)
    %mul3A_8 = arith.constant 200 : i32
    %mul3A_9 = arith.muli %mul3A_2, %mul3A_8 : i32
    %add3A_10 = arith.constant 800 : i32
    %add3A_11 = arith.addi %mul3A_9, %add3A_10 : i32
    %dma_start3A_12 = tpu.memref_slice %arg2[%add3A_11] : memref<819200xi32, #tpu.memory_space<hbm>> -> memref<800xi32, #tpu.memory_space<hbm>>
    %dma_start3A_13 = tpu.memref_slice %arg2[%add3A_11] : memref<819200xi32, #tpu.memory_space<hbm>> -> memref<800xi32, #tpu.memory_space<hbm>>
    tpu.enqueue_dma source(%dma_start3A_13 : memref<800xi32, #tpu.memory_space<hbm>>) target(%arg6 : memref<800xi32, #tpu.memory_space<vmem>>) target_semaphore(%arg15 : memref<!tpu.dma_semaphore, #tpu.memory_space<semaphore_mem>>)
    %mul3A_14 = arith.constant 200 : i32
    %mul3A_15 = arith.muli %mul3A_2, %mul3A_14 : i32
    %add3A_16 = arith.constant 0 : i32
    %add3A_17 = arith.addi %mul3A_15, %add3A_16 : i32
    %dma_wait3A = tpu.memref_slice %arg2[%add3A_17] : memref<819200xi32, #tpu.memory_space<hbm>> -> memref<800xi32, #tpu.memory_space<hbm>>
    %dma_wait3A_18 = tpu.memref_slice %arg2[%add3A_17] : memref<819200xi32, #tpu.memory_space<hbm>> -> memref<800xi32, #tpu.memory_space<hbm>>
    tpu.wait_dma2 semaphore(%arg14 : memref<!tpu.dma_semaphore, #tpu.memory_space<semaphore_mem>>) src(%dma_wait3A_18 : memref<800xi32, #tpu.memory_space<hbm>>) dst(%arg5 : memref<800xi32, #tpu.memory_space<vmem>>)
    %scan3A = arith.constant 0 : i32
    %scan3A_19 = arith.constant 0 : i32
    %scan3A_20 = arith.constant 50 : i32
    %scan3A_21 = arith.addi %scan3A_19, %scan3A_20 : i32
    %scan3A_22 = arith.constant 1 : i32
    scf.for %scan3A_60 = %scan3A_19 to %scan3A_21 step %scan3A_22  : i32 {
      %mul3A_61 = arith.constant 16 : i32
      %mul3A_62 = arith.muli %mul3A_61, %scan3A_60 : i32
      %get3A = arith.index_cast %mul3A_62 : i32 to index
      %get3A_63 = tpu.vector_load %arg5[%get3A] {strides = array<i32>} : memref<800xi32, #tpu.memory_space<vmem>>, vector<16xi32>,
      %get3A_64 = vector.shape_cast %get3A_63 : vector<16xi32> to vector<16xi32>
      %and3A = arith.constant -32768 : i32
      %and3A_65 = vector.broadcast %and3A : i32 to vector<16xi32>
      %and3A_66 = arith.andi %get3A_64, %and3A_65 : vector<16xi32>
      %and3A_67 = arith.constant 8191 : i32
      %and3A_68 = vector.broadcast %and3A_67 : i32 to vector<16xi32>
      %and3A_69 = arith.andi %get3A_64, %and3A_68 : vector<16xi32>
      %shift_left3A = arith.constant 2 : i32
      %shift_left3A_70 = vector.broadcast %shift_left3A : i32 to vector<16xi32>
      %shift_left3A_71 = arith.shli %and3A_69, %shift_left3A_70 : vector<16xi32>
      %or3A = arith.ori %and3A_66, %shift_left3A_71 : vector<16xi32>
      %shift_right_arithmetic3A = arith.constant 13 : i32
      %shift_right_arithmetic3A_72 = vector.broadcast %shift_right_arithmetic3A : i32 to vector<16xi32>
      %shift_right_arithmetic3A_73 = arith.shrsi %get3A_64, %shift_right_arithmetic3A_72 : vector<16xi32>
      %and3A_74 = arith.constant 3 : i32
      %and3A_75 = vector.broadcast %and3A_74 : i32 to vector<16xi32>
      %and3A_76 = arith.andi %shift_right_arithmetic3A_73, %and3A_75 : vector<16xi32>
      %or3A_77 = arith.ori %or3A, %and3A_76 : vector<16xi32>
      %mul3A_78 = arith.constant 16 : i32
      %mul3A_79 = arith.muli %mul3A_78, %scan3A_60 : i32
      %swap3A = arith.index_cast %mul3A_79 : i32 to index
      %swap3A_80 = tpu.vector_load %arg7[%swap3A] {strides = array<i32>} : memref<800xi32, #tpu.memory_space<vmem>>, vector<16xi32>,
      %swap3A_81 = vector.shape_cast %swap3A_80 : vector<16xi32> to vector<16xi32>
      %swap3A_82 = vector.shape_cast %or3A_77 : vector<16xi32> to vector<16xi32>
      tpu.vector_store %arg7[%swap3A], %swap3A_82 {strides = array<i32>} : memref<800xi32, #tpu.memory_space<vmem>>, vector<16xi32>,
    }
    %scan3A_23 = arith.constant 50 : i32
    %dma_start3A_24 = arith.constant 0 : i32
    %dma_start3A_25 = arith.constant 0 : i32
    %dma_start3A_26 = tpu.memref_slice %arg3[%dma_start3A_24, %dma_start3A_25] : memref<1015808x32xi32, #tpu.memory_space<hbm>> -> memref<1015808x32xi32, #tpu.memory_space<hbm>>
    tpu.enqueue_indirect_dma source(%dma_start3A_26 : memref<1015808x32xi32, #tpu.memory_space<hbm>>) target(%arg9 : memref<800x32xi32, #tpu.memory_space<vmem>>) offsets(%arg7 : memref<800xi32, #tpu.memory_space<vmem>>) semaphore(%arg12 : memref<!tpu.dma_semaphore, #tpu.memory_space<semaphore_mem>>)
    %mul3A_27 = arith.constant 200 : i32
    %mul3A_28 = arith.muli %mul3A_2, %mul3A_27 : i32
    %add3A_29 = arith.constant 1600 : i32
    %add3A_30 = arith.addi %mul3A_28, %add3A_29 : i32
    %dma_start3A_31 = tpu.memref_slice %arg2[%add3A_30] : memref<819200xi32, #tpu.memory_space<hbm>> -> memref<800xi32, #tpu.memory_space<hbm>>
    %dma_start3A_32 = tpu.memref_slice %arg2[%add3A_30] : memref<819200xi32, #tpu.memory_space<hbm>> -> memref<800xi32, #tpu.memory_space<hbm>>
    tpu.enqueue_dma source(%dma_start3A_32 : memref<800xi32, #tpu.memory_space<hbm>>) target(%arg5 : memref<800xi32, #tpu.memory_space<vmem>>) target_semaphore(%arg14 : memref<!tpu.dma_semaphore, #tpu.memory_space<semaphore_mem>>)
    %mul3A_33 = arith.constant 200 : i32
    %mul3A_34 = arith.muli %mul3A_2, %mul3A_33 : i32
    %add3A_35 = arith.constant 800 : i32
    %add3A_36 = arith.addi %mul3A_34, %add3A_35 : i32
    %dma_wait3A_37 = tpu.memref_slice %arg2[%add3A_36] : memref<819200xi32, #tpu.memory_space<hbm>> -> memref<800xi32, #tpu.memory_space<hbm>>
    %dma_wait3A_38 = tpu.memref_slice %arg2[%add3A_36] : memref<819200xi32, #tpu.memory_space<hbm>> -> memref<800xi32, #tpu.memory_space<hbm>>
    tpu.wait_dma2 semaphore(%arg15 : memref<!tpu.dma_semaphore, #tpu.memory_space<semaphore_mem>>) src(%dma_wait3A_38 : memref<800xi32, #tpu.memory_space<hbm>>) dst(%arg6 : memref<800xi32, #tpu.memory_space<vmem>>)
    %scan3A_39 = arith.constant 0 : i32
    %scan3A_40 = arith.constant 0 : i32
    %scan3A_41 = arith.constant 50 : i32
    %scan3A_42 = arith.addi %scan3A_40, %scan3A_41 : i32
    %scan3A_43 = arith.constant 1 : i32
    scf.for %scan3A_60 = %scan3A_40 to %scan3A_42 step %scan3A_43  : i32 {
      %mul3A_61 = arith.constant 16 : i32
      %mul3A_62 = arith.muli %mul3A_61, %scan3A_60 : i32
      %get3A = arith.index_cast %mul3A_62 : i32 to index
      %get3A_63 = tpu.vector_load %arg6[%get3A] {strides = array<i32>} : memref<800xi32, #tpu.memory_space<vmem>>, vector<16xi32>,
      %get3A_64 = vector.shape_cast %get3A_63 : vector<16xi32> to vector<16xi32>
      %and3A = arith.constant -32768 : i32
      %and3A_65 = vector.broadcast %and3A : i32 to vector<16xi32>
      %and3A_66 = arith.andi %get3A_64, %and3A_65 : vector<16xi32>
      %and3A_67 = arith.constant 8191 : i32
      %and3A_68 = vector.broadcast %and3A_67 : i32 to vector<16xi32>
      %and3A_69 = arith.andi %get3A_64, %and3A_68 : vector<16xi32>
      %shift_left3A = arith.constant 2 : i32
      %shift_left3A_70 = vector.broadcast %shift_left3A : i32 to vector<16xi32>
      %shift_left3A_71 = arith.shli %and3A_69, %shift_left3A_70 : vector<16xi32>
      %or3A = arith.ori %and3A_66, %shift_left3A_71 : vector<16xi32>
      %shift_right_arithmetic3A = arith.constant 13 : i32
      %shift_right_arithmetic3A_72 = vector.broadcast %shift_right_arithmetic3A : i32 to vector<16xi32>
      %shift_right_arithmetic3A_73 = arith.shrsi %get3A_64, %shift_right_arithmetic3A_72 : vector<16xi32>
      %and3A_74 = arith.constant 3 : i32
      %and3A_75 = vector.broadcast %and3A_74 : i32 to vector<16xi32>
      %and3A_76 = arith.andi %shift_right_arithmetic3A_73, %and3A_75 : vector<16xi32>
      %or3A_77 = arith.ori %or3A, %and3A_76 : vector<16xi32>
      %mul3A_78 = arith.constant 16 : i32
      %mul3A_79 = arith.muli %mul3A_78, %scan3A_60 : i32
      %swap3A = arith.index_cast %mul3A_79 : i32 to index
      %swap3A_80 = tpu.vector_load %arg8[%swap3A] {strides = array<i32>} : memref<800xi32, #tpu.memory_space<vmem>>, vector<16xi32>,
      %swap3A_81 = vector.shape_cast %swap3A_80 : vector<16xi32> to vector<16xi32>
      %swap3A_82 = vector.shape_cast %or3A_77 : vector<16xi32> to vector<16xi32>
      tpu.vector_store %arg8[%swap3A], %swap3A_82 {strides = array<i32>} : memref<800xi32, #tpu.memory_space<vmem>>, vector<16xi32>,
    }
    %scan3A_44 = arith.constant 50 : i32
    %dma_start3A_45 = arith.constant 0 : i32
    %dma_start3A_46 = arith.constant 0 : i32
    %dma_start3A_47 = tpu.memref_slice %arg3[%dma_start3A_45, %dma_start3A_46] : memref<1015808x32xi32, #tpu.memory_space<hbm>> -> memref<1015808x32xi32, #tpu.memory_space<hbm>>
    tpu.enqueue_indirect_dma source(%dma_start3A_47 : memref<1015808x32xi32, #tpu.memory_space<hbm>>) target(%arg10 : memref<800x32xi32, #tpu.memory_space<vmem>>) offsets(%arg8 : memref<800xi32, #tpu.memory_space<vmem>>) semaphore(%arg13 : memref<!tpu.dma_semaphore, #tpu.memory_space<semaphore_mem>>)
    %mul3A_48 = arith.constant 200 : i32
    %mul3A_49 = arith.muli %mul3A_2, %mul3A_48 : i32
    %add3A_50 = arith.constant 2400 : i32
    %add3A_51 = arith.addi %mul3A_49, %add3A_50 : i32
    %dma_start3A_52 = tpu.memref_slice %arg2[%add3A_51] : memref<819200xi32, #tpu.memory_space<hbm>> -> memref<800xi32, #tpu.memory_space<hbm>>
    %dma_start3A_53 = tpu.memref_slice %arg2[%add3A_51] : memref<819200xi32, #tpu.memory_space<hbm>> -> memref<800xi32, #tpu.memory_space<hbm>>
    tpu.enqueue_dma source(%dma_start3A_53 : memref<800xi32, #tpu.memory_space<hbm>>) target(%arg6 : memref<800xi32, #tpu.memory_space<vmem>>) target_semaphore(%arg15 : memref<!tpu.dma_semaphore, #tpu.memory_space<semaphore_mem>>)
    %scan3A_54 = arith.constant 0 : i32
    %scan3A_55 = arith.constant 0 : i32
    %scan3A_56 = arith.constant 16 : i32
    %scan3A_57 = arith.addi %scan3A_55, %scan3A_56 : i32
    %scan3A_58 = arith.constant 1 : i32
    scf.for %scan3A_60 = %scan3A_55 to %scan3A_57 step %scan3A_58  : i32 {
      %mul3A_61 = arith.constant 2 : i32
      %mul3A_62 = arith.muli %mul3A_61, %scan3A_60 : i32
      %add3A_63 = arith.constant 0 : i32
      %add3A_64 = arith.addi %mul3A_62, %add3A_63 : i32
      %dma_wait3A_65 = arith.constant 0 : i32
      %dma_wait3A_66 = arith.constant 0 : i32
      %dma_wait3A_67 = tpu.memref_slice %arg3[%dma_wait3A_65, %dma_wait3A_66] : memref<1015808x32xi32, #tpu.memory_space<hbm>> -> memref<1015808x32xi32, #tpu.memory_space<hbm>>
      tpu.wait_indirect_dma semaphore(%arg12 : memref<!tpu.dma_semaphore, #tpu.memory_space<semaphore_mem>>) src(%dma_wait3A_67 : memref<1015808x32xi32, #tpu.memory_space<hbm>>) dst(%arg9 : memref<800x32xi32, #tpu.memory_space<vmem>>)
      %broadcast_in_dim3A = arith.constant 0.000000e+00 : f32
      %broadcast_in_dim3A_68 = vector.broadcast %broadcast_in_dim3A : f32 to vector<16xf32>
      %broadcast_in_dim3A_69 = arith.constant 0.000000e+00 : f32
      %broadcast_in_dim3A_70 = vector.broadcast %broadcast_in_dim3A_69 : f32 to vector<16xf32>
      %broadcast_in_dim3A_71 = arith.constant 0.000000e+00 : f32
      %broadcast_in_dim3A_72 = vector.broadcast %broadcast_in_dim3A_71 : f32 to vector<16xf32>
      %broadcast_in_dim3A_73 = arith.constant 0.000000e+00 : f32
      %broadcast_in_dim3A_74 = vector.broadcast %broadcast_in_dim3A_73 : f32 to vector<16xf32>
      %broadcast_in_dim3A_75 = arith.constant 0.000000e+00 : f32
      %broadcast_in_dim3A_76 = vector.broadcast %broadcast_in_dim3A_75 : f32 to vector<16xf32>
      %broadcast_in_dim3A_77 = arith.constant 0.000000e+00 : f32
      %broadcast_in_dim3A_78 = vector.broadcast %broadcast_in_dim3A_77 : f32 to vector<16xf32>
      %broadcast_in_dim3A_79 = arith.constant 0.000000e+00 : f32
      %broadcast_in_dim3A_80 = vector.broadcast %broadcast_in_dim3A_79 : f32 to vector<16xf32>
      %broadcast_in_dim3A_81 = arith.constant 0.000000e+00 : f32
      %broadcast_in_dim3A_82 = vector.broadcast %broadcast_in_dim3A_81 : f32 to vector<16xf32>
      %broadcast_in_dim3A_83 = arith.constant 0.000000e+00 : f32
      %broadcast_in_dim3A_84 = vector.broadcast %broadcast_in_dim3A_83 : f32 to vector<16xf32>
      %broadcast_in_dim3A_85 = arith.constant 0.000000e+00 : f32
      %broadcast_in_dim3A_86 = vector.broadcast %broadcast_in_dim3A_85 : f32 to vector<16xf32>
      %broadcast_in_dim3A_87 = arith.constant 0.000000e+00 : f32
      %broadcast_in_dim3A_88 = vector.broadcast %broadcast_in_dim3A_87 : f32 to vector<16xf32>
      %broadcast_in_dim3A_89 = arith.constant 0.000000e+00 : f32
      %broadcast_in_dim3A_90 = vector.broadcast %broadcast_in_dim3A_89 : f32 to vector<16xf32>
      %broadcast_in_dim3A_91 = arith.constant 0.000000e+00 : f32
      %broadcast_in_dim3A_92 = vector.broadcast %broadcast_in_dim3A_91 : f32 to vector<16xf32>
      %broadcast_in_dim3A_93 = arith.constant 0.000000e+00 : f32
      %broadcast_in_dim3A_94 = vector.broadcast %broadcast_in_dim3A_93 : f32 to vector<16xf32>
      %broadcast_in_dim3A_95 = arith.constant 0.000000e+00 : f32
      %broadcast_in_dim3A_96 = vector.broadcast %broadcast_in_dim3A_95 : f32 to vector<16xf32>
      %broadcast_in_dim3A_97 = arith.constant 0.000000e+00 : f32
      %broadcast_in_dim3A_98 = vector.broadcast %broadcast_in_dim3A_97 : f32 to vector<16xf32>
      %scan3A_99 = arith.constant 0 : i32
      %scan3A_100 = arith.constant 100 : i32
      %scan3A_101 = arith.addi %scan3A_99, %scan3A_100 : i32
      %scan3A_102 = arith.constant 1 : i32
      %scan3A_103:16 = scf.for %scan3A_462 = %scan3A_99 to %scan3A_101 step %scan3A_102 iter_args(%scan3A_463 = %broadcast_in_dim3A_68, %scan3A_464 = %broadcast_in_dim3A_70, %scan3A_465 = %broadcast_in_dim3A_72, %scan3A_466 = %broadcast_in_dim3A_74, %scan3A_467 = %broadcast_in_dim3A_76, %scan3A_468 = %broadcast_in_dim3A_78, %scan3A_469 = %broadcast_in_dim3A_80, %scan3A_470 = %broadcast_in_dim3A_82, %scan3A_471 = %broadcast_in_dim3A_84, %scan3A_472 = %broadcast_in_dim3A_86, %scan3A_473 = %broadcast_in_dim3A_88, %scan3A_474 = %broadcast_in_dim3A_90, %scan3A_475 = %broadcast_in_dim3A_92, %scan3A_476 = %broadcast_in_dim3A_94, %scan3A_477 = %broadcast_in_dim3A_96, %scan3A_478 = %broadcast_in_dim3A_98) -> (vector<16xf32>, vector<16xf32>, vector<16xf32>, vector<16xf32>, vector<16xf32>, vector<16xf32>, vector<16xf32>, vector<16xf32>, vector<16xf32>, vector<16xf32>, vector<16xf32>, vector<16xf32>, vector<16xf32>, vector<16xf32>, vector<16xf32>, vector<16xf32>)  : i32 {
        %mul3A_479 = arith.constant 2 : i32
        %mul3A_480 = arith.muli %mul3A_479, %scan3A_462 : i32
        %add3A_481 = arith.constant 0 : i32
        %add3A_482 = arith.addi %add3A_481, %mul3A_480 : i32
        %add3A_483 = arith.constant 0 : i32
        %add3A_484 = arith.addi %add3A_482, %add3A_483 : i32
        %get3A = arith.index_cast %add3A_484 : i32 to index
        %get3A_485 = arith.constant 0 : index
        %get3A_486 = tpu.vector_load %arg9[%get3A, %get3A_485] {strides = array<i32>} : memref<800x32xi32, #tpu.memory_space<vmem>>, vector<1x16xi32>,
        %get3A_487 = vector.shape_cast %get3A_486 : vector<1x16xi32> to vector<16xi32>
        %mul3A_488 = arith.constant 65536 : i32
        %mul3A_489 = vector.broadcast %mul3A_488 : i32 to vector<16xi32>
        %mul3A_490 = arith.muli %get3A_487, %mul3A_489 : vector<16xi32>
        %bitcast_convert_type3A = tpu.bitcast %mul3A_490 : vector<16xi32> -> vector<16xf32>
        %bitcast_convert_type3A_491 = tpu.bitcast %get3A_487 : vector<16xi32> -> vector<16xf32>
        %add3A_492 = arith.addf %scan3A_463, %bitcast_convert_type3A : vector<16xf32>
        %add3A_493 = arith.addf %scan3A_464, %bitcast_convert_type3A_491 : vector<16xf32>
        %mul3A_494 = arith.constant 2 : i32
        %mul3A_495 = arith.muli %mul3A_494, %scan3A_462 : i32
        %add3A_496 = arith.constant 0 : i32
        %add3A_497 = arith.addi %add3A_496, %mul3A_495 : i32
        %add3A_498 = arith.constant 0 : i32
        %add3A_499 = arith.addi %add3A_497, %add3A_498 : i32
        %get3A_500 = arith.index_cast %add3A_499 : i32 to index
        %get3A_501 = arith.constant 16 : index
        %get3A_502 = tpu.vector_load %arg9[%get3A_500, %get3A_501] {strides = array<i32>} : memref<800x32xi32, #tpu.memory_space<vmem>>, vector<1x16xi32>,
        %get3A_503 = vector.shape_cast %get3A_502 : vector<1x16xi32> to vector<16xi32>
        %mul3A_504 = arith.constant 65536 : i32
        %mul3A_505 = vector.broadcast %mul3A_504 : i32 to vector<16xi32>
        %mul3A_506 = arith.muli %get3A_503, %mul3A_505 : vector<16xi32>
        %bitcast_convert_type3A_507 = tpu.bitcast %mul3A_506 : vector<16xi32> -> vector<16xf32>
        %bitcast_convert_type3A_508 = tpu.bitcast %get3A_503 : vector<16xi32> -> vector<16xf32>
        %add3A_509 = arith.addf %scan3A_465, %bitcast_convert_type3A_507 : vector<16xf32>
        %add3A_510 = arith.addf %scan3A_466, %bitcast_convert_type3A_508 : vector<16xf32>
        %mul3A_511 = arith.constant 2 : i32
        %mul3A_512 = arith.muli %mul3A_511, %scan3A_462 : i32
        %add3A_513 = arith.constant 0 : i32
        %add3A_514 = arith.addi %add3A_513, %mul3A_512 : i32
        %add3A_515 = arith.constant 1 : i32
        %add3A_516 = arith.addi %add3A_514, %add3A_515 : i32
        %get3A_517 = arith.index_cast %add3A_516 : i32 to index
        %get3A_518 = arith.constant 0 : index
        %get3A_519 = tpu.vector_load %arg9[%get3A_517, %get3A_518] {strides = array<i32>} : memref<800x32xi32, #tpu.memory_space<vmem>>, vector<1x16xi32>,
        %get3A_520 = vector.shape_cast %get3A_519 : vector<1x16xi32> to vector<16xi32>
        %mul3A_521 = arith.constant 65536 : i32
        %mul3A_522 = vector.broadcast %mul3A_521 : i32 to vector<16xi32>
        %mul3A_523 = arith.muli %get3A_520, %mul3A_522 : vector<16xi32>
        %bitcast_convert_type3A_524 = tpu.bitcast %mul3A_523 : vector<16xi32> -> vector<16xf32>
        %bitcast_convert_type3A_525 = tpu.bitcast %get3A_520 : vector<16xi32> -> vector<16xf32>
        %add3A_526 = arith.addf %add3A_492, %bitcast_convert_type3A_524 : vector<16xf32>
        %add3A_527 = arith.addf %add3A_493, %bitcast_convert_type3A_525 : vector<16xf32>
        %mul3A_528 = arith.constant 2 : i32
        %mul3A_529 = arith.muli %mul3A_528, %scan3A_462 : i32
        %add3A_530 = arith.constant 0 : i32
        %add3A_531 = arith.addi %add3A_530, %mul3A_529 : i32
        %add3A_532 = arith.constant 1 : i32
        %add3A_533 = arith.addi %add3A_531, %add3A_532 : i32
        %get3A_534 = arith.index_cast %add3A_533 : i32 to index
        %get3A_535 = arith.constant 16 : index
        %get3A_536 = tpu.vector_load %arg9[%get3A_534, %get3A_535] {strides = array<i32>} : memref<800x32xi32, #tpu.memory_space<vmem>>, vector<1x16xi32>,
        %get3A_537 = vector.shape_cast %get3A_536 : vector<1x16xi32> to vector<16xi32>
        %mul3A_538 = arith.constant 65536 : i32
        %mul3A_539 = vector.broadcast %mul3A_538 : i32 to vector<16xi32>
        %mul3A_540 = arith.muli %get3A_537, %mul3A_539 : vector<16xi32>
        %bitcast_convert_type3A_541 = tpu.bitcast %mul3A_540 : vector<16xi32> -> vector<16xf32>
        %bitcast_convert_type3A_542 = tpu.bitcast %get3A_537 : vector<16xi32> -> vector<16xf32>
        %add3A_543 = arith.addf %add3A_509, %bitcast_convert_type3A_541 : vector<16xf32>
        %add3A_544 = arith.addf %add3A_510, %bitcast_convert_type3A_542 : vector<16xf32>
        %mul3A_545 = arith.constant 2 : i32
        %mul3A_546 = arith.muli %mul3A_545, %scan3A_462 : i32
        %add3A_547 = arith.constant 200 : i32
        %add3A_548 = arith.addi %add3A_547, %mul3A_546 : i32
        %add3A_549 = arith.constant 0 : i32
        %add3A_550 = arith.addi %add3A_548, %add3A_549 : i32
        %get3A_551 = arith.index_cast %add3A_550 : i32 to index
        %get3A_552 = arith.constant 0 : index
        %get3A_553 = tpu.vector_load %arg9[%get3A_551, %get3A_552] {strides = array<i32>} : memref<800x32xi32, #tpu.memory_space<vmem>>, vector<1x16xi32>,
        %get3A_554 = vector.shape_cast %get3A_553 : vector<1x16xi32> to vector<16xi32>
        %mul3A_555 = arith.constant 65536 : i32
        %mul3A_556 = vector.broadcast %mul3A_555 : i32 to vector<16xi32>
        %mul3A_557 = arith.muli %get3A_554, %mul3A_556 : vector<16xi32>
        %bitcast_convert_type3A_558 = tpu.bitcast %mul3A_557 : vector<16xi32> -> vector<16xf32>
        %bitcast_convert_type3A_559 = tpu.bitcast %get3A_554 : vector<16xi32> -> vector<16xf32>
        %add3A_560 = arith.addf %scan3A_467, %bitcast_convert_type3A_558 : vector<16xf32>
        %add3A_561 = arith.addf %scan3A_468, %bitcast_convert_type3A_559 : vector<16xf32>
        %mul3A_562 = arith.constant 2 : i32
        %mul3A_563 = arith.muli %mul3A_562, %scan3A_462 : i32
        %add3A_564 = arith.constant 200 : i32
        %add3A_565 = arith.addi %add3A_564, %mul3A_563 : i32
        %add3A_566 = arith.constant 0 : i32
        %add3A_567 = arith.addi %add3A_565, %add3A_566 : i32
        %get3A_568 = arith.index_cast %add3A_567 : i32 to index
        %get3A_569 = arith.constant 16 : index
        %get3A_570 = tpu.vector_load %arg9[%get3A_568, %get3A_569] {strides = array<i32>} : memref<800x32xi32, #tpu.memory_space<vmem>>, vector<1x16xi32>,
        %get3A_571 = vector.shape_cast %get3A_570 : vector<1x16xi32> to vector<16xi32>
        %mul3A_572 = arith.constant 65536 : i32
        %mul3A_573 = vector.broadcast %mul3A_572 : i32 to vector<16xi32>
        %mul3A_574 = arith.muli %get3A_571, %mul3A_573 : vector<16xi32>
        %bitcast_convert_type3A_575 = tpu.bitcast %mul3A_574 : vector<16xi32> -> vector<16xf32>
        %bitcast_convert_type3A_576 = tpu.bitcast %get3A_571 : vector<16xi32> -> vector<16xf32>
        %add3A_577 = arith.addf %scan3A_469, %bitcast_convert_type3A_575 : vector<16xf32>
        %add3A_578 = arith.addf %scan3A_470, %bitcast_convert_type3A_576 : vector<16xf32>
        %mul3A_579 = arith.constant 2 : i32
        %mul3A_580 = arith.muli %mul3A_579, %scan3A_462 : i32
        %add3A_581 = arith.constant 200 : i32
        %add3A_582 = arith.addi %add3A_581, %mul3A_580 : i32
        %add3A_583 = arith.constant 1 : i32
        %add3A_584 = arith.addi %add3A_582, %add3A_583 : i32
        %get3A_585 = arith.index_cast %add3A_584 : i32 to index
        %get3A_586 = arith.constant 0 : index
        %get3A_587 = tpu.vector_load %arg9[%get3A_585, %get3A_586] {strides = array<i32>} : memref<800x32xi32, #tpu.memory_space<vmem>>, vector<1x16xi32>,
        %get3A_588 = vector.shape_cast %get3A_587 : vector<1x16xi32> to vector<16xi32>
        %mul3A_589 = arith.constant 65536 : i32
        %mul3A_590 = vector.broadcast %mul3A_589 : i32 to vector<16xi32>
        %mul3A_591 = arith.muli %get3A_588, %mul3A_590 : vector<16xi32>
        %bitcast_convert_type3A_592 = tpu.bitcast %mul3A_591 : vector<16xi32> -> vector<16xf32>
        %bitcast_convert_type3A_593 = tpu.bitcast %get3A_588 : vector<16xi32> -> vector<16xf32>
        %add3A_594 = arith.addf %add3A_560, %bitcast_convert_type3A_592 : vector<16xf32>
        %add3A_595 = arith.addf %add3A_561, %bitcast_convert_type3A_593 : vector<16xf32>
        %mul3A_596 = arith.constant 2 : i32
        %mul3A_597 = arith.muli %mul3A_596, %scan3A_462 : i32
        %add3A_598 = arith.constant 200 : i32
        %add3A_599 = arith.addi %add3A_598, %mul3A_597 : i32
        %add3A_600 = arith.constant 1 : i32
        %add3A_601 = arith.addi %add3A_599, %add3A_600 : i32
        %get3A_602 = arith.index_cast %add3A_601 : i32 to index
        %get3A_603 = arith.constant 16 : index
        %get3A_604 = tpu.vector_load %arg9[%get3A_602, %get3A_603] {strides = array<i32>} : memref<800x32xi32, #tpu.memory_space<vmem>>, vector<1x16xi32>,
        %get3A_605 = vector.shape_cast %get3A_604 : vector<1x16xi32> to vector<16xi32>
        %mul3A_606 = arith.constant 65536 : i32
        %mul3A_607 = vector.broadcast %mul3A_606 : i32 to vector<16xi32>
        %mul3A_608 = arith.muli %get3A_605, %mul3A_607 : vector<16xi32>
        %bitcast_convert_type3A_609 = tpu.bitcast %mul3A_608 : vector<16xi32> -> vector<16xf32>
        %bitcast_convert_type3A_610 = tpu.bitcast %get3A_605 : vector<16xi32> -> vector<16xf32>
        %add3A_611 = arith.addf %add3A_577, %bitcast_convert_type3A_609 : vector<16xf32>
        %add3A_612 = arith.addf %add3A_578, %bitcast_convert_type3A_610 : vector<16xf32>
        %mul3A_613 = arith.constant 2 : i32
        %mul3A_614 = arith.muli %mul3A_613, %scan3A_462 : i32
        %add3A_615 = arith.constant 400 : i32
        %add3A_616 = arith.addi %add3A_615, %mul3A_614 : i32
        %add3A_617 = arith.constant 0 : i32
        %add3A_618 = arith.addi %add3A_616, %add3A_617 : i32
        %get3A_619 = arith.index_cast %add3A_618 : i32 to index
        %get3A_620 = arith.constant 0 : index
        %get3A_621 = tpu.vector_load %arg9[%get3A_619, %get3A_620] {strides = array<i32>} : memref<800x32xi32, #tpu.memory_space<vmem>>, vector<1x16xi32>,
        %get3A_622 = vector.shape_cast %get3A_621 : vector<1x16xi32> to vector<16xi32>
        %mul3A_623 = arith.constant 65536 : i32
        %mul3A_624 = vector.broadcast %mul3A_623 : i32 to vector<16xi32>
        %mul3A_625 = arith.muli %get3A_622, %mul3A_624 : vector<16xi32>
        %bitcast_convert_type3A_626 = tpu.bitcast %mul3A_625 : vector<16xi32> -> vector<16xf32>
        %bitcast_convert_type3A_627 = tpu.bitcast %get3A_622 : vector<16xi32> -> vector<16xf32>
        %add3A_628 = arith.addf %scan3A_471, %bitcast_convert_type3A_626 : vector<16xf32>
        %add3A_629 = arith.addf %scan3A_472, %bitcast_convert_type3A_627 : vector<16xf32>
        %mul3A_630 = arith.constant 2 : i32
        %mul3A_631 = arith.muli %mul3A_630, %scan3A_462 : i32
        %add3A_632 = arith.constant 400 : i32
        %add3A_633 = arith.addi %add3A_632, %mul3A_631 : i32
        %add3A_634 = arith.constant 0 : i32
        %add3A_635 = arith.addi %add3A_633, %add3A_634 : i32
        %get3A_636 = arith.index_cast %add3A_635 : i32 to index
        %get3A_637 = arith.constant 16 : index
        %get3A_638 = tpu.vector_load %arg9[%get3A_636, %get3A_637] {strides = array<i32>} : memref<800x32xi32, #tpu.memory_space<vmem>>, vector<1x16xi32>,
        %get3A_639 = vector.shape_cast %get3A_638 : vector<1x16xi32> to vector<16xi32>
        %mul3A_640 = arith.constant 65536 : i32
        %mul3A_641 = vector.broadcast %mul3A_640 : i32 to vector<16xi32>
        %mul3A_642 = arith.muli %get3A_639, %mul3A_641 : vector<16xi32>
        %bitcast_convert_type3A_643 = tpu.bitcast %mul3A_642 : vector<16xi32> -> vector<16xf32>
        %bitcast_convert_type3A_644 = tpu.bitcast %get3A_639 : vector<16xi32> -> vector<16xf32>
        %add3A_645 = arith.addf %scan3A_473, %bitcast_convert_type3A_643 : vector<16xf32>
        %add3A_646 = arith.addf %scan3A_474, %bitcast_convert_type3A_644 : vector<16xf32>
        %mul3A_647 = arith.constant 2 : i32
        %mul3A_648 = arith.muli %mul3A_647, %scan3A_462 : i32
        %add3A_649 = arith.constant 400 : i32
        %add3A_650 = arith.addi %add3A_649, %mul3A_648 : i32
        %add3A_651 = arith.constant 1 : i32
        %add3A_652 = arith.addi %add3A_650, %add3A_651 : i32
        %get3A_653 = arith.index_cast %add3A_652 : i32 to index
        %get3A_654 = arith.constant 0 : index
        %get3A_655 = tpu.vector_load %arg9[%get3A_653, %get3A_654] {strides = array<i32>} : memref<800x32xi32, #tpu.memory_space<vmem>>, vector<1x16xi32>,
        %get3A_656 = vector.shape_cast %get3A_655 : vector<1x16xi32> to vector<16xi32>
        %mul3A_657 = arith.constant 65536 : i32
        %mul3A_658 = vector.broadcast %mul3A_657 : i32 to vector<16xi32>
        %mul3A_659 = arith.muli %get3A_656, %mul3A_658 : vector<16xi32>
        %bitcast_convert_type3A_660 = tpu.bitcast %mul3A_659 : vector<16xi32> -> vector<16xf32>
        %bitcast_convert_type3A_661 = tpu.bitcast %get3A_656 : vector<16xi32> -> vector<16xf32>
        %add3A_662 = arith.addf %add3A_628, %bitcast_convert_type3A_660 : vector<16xf32>
        %add3A_663 = arith.addf %add3A_629, %bitcast_convert_type3A_661 : vector<16xf32>
        %mul3A_664 = arith.constant 2 : i32
        %mul3A_665 = arith.muli %mul3A_664, %scan3A_462 : i32
        %add3A_666 = arith.constant 400 : i32
        %add3A_667 = arith.addi %add3A_666, %mul3A_665 : i32
        %add3A_668 = arith.constant 1 : i32
        %add3A_669 = arith.addi %add3A_667, %add3A_668 : i32
        %get3A_670 = arith.index_cast %add3A_669 : i32 to index
        %get3A_671 = arith.constant 16 : index
        %get3A_672 = tpu.vector_load %arg9[%get3A_670, %get3A_671] {strides = array<i32>} : memref<800x32xi32, #tpu.memory_space<vmem>>, vector<1x16xi32>,
        %get3A_673 = vector.shape_cast %get3A_672 : vector<1x16xi32> to vector<16xi32>
        %mul3A_674 = arith.constant 65536 : i32
        %mul3A_675 = vector.broadcast %mul3A_674 : i32 to vector<16xi32>
        %mul3A_676 = arith.muli %get3A_673, %mul3A_675 : vector<16xi32>
        %bitcast_convert_type3A_677 = tpu.bitcast %mul3A_676 : vector<16xi32> -> vector<16xf32>
        %bitcast_convert_type3A_678 = tpu.bitcast %get3A_673 : vector<16xi32> -> vector<16xf32>
        %add3A_679 = arith.addf %add3A_645, %bitcast_convert_type3A_677 : vector<16xf32>
        %add3A_680 = arith.addf %add3A_646, %bitcast_convert_type3A_678 : vector<16xf32>
        %mul3A_681 = arith.constant 2 : i32
        %mul3A_682 = arith.muli %mul3A_681, %scan3A_462 : i32
        %add3A_683 = arith.constant 600 : i32
        %add3A_684 = arith.addi %add3A_683, %mul3A_682 : i32
        %add3A_685 = arith.constant 0 : i32
        %add3A_686 = arith.addi %add3A_684, %add3A_685 : i32
        %get3A_687 = arith.index_cast %add3A_686 : i32 to index
        %get3A_688 = arith.constant 0 : index
        %get3A_689 = tpu.vector_load %arg9[%get3A_687, %get3A_688] {strides = array<i32>} : memref<800x32xi32, #tpu.memory_space<vmem>>, vector<1x16xi32>,
        %get3A_690 = vector.shape_cast %get3A_689 : vector<1x16xi32> to vector<16xi32>
        %mul3A_691 = arith.constant 65536 : i32
        %mul3A_692 = vector.broadcast %mul3A_691 : i32 to vector<16xi32>
        %mul3A_693 = arith.muli %get3A_690, %mul3A_692 : vector<16xi32>
        %bitcast_convert_type3A_694 = tpu.bitcast %mul3A_693 : vector<16xi32> -> vector<16xf32>
        %bitcast_convert_type3A_695 = tpu.bitcast %get3A_690 : vector<16xi32> -> vector<16xf32>
        %add3A_696 = arith.addf %scan3A_475, %bitcast_convert_type3A_694 : vector<16xf32>
        %add3A_697 = arith.addf %scan3A_476, %bitcast_convert_type3A_695 : vector<16xf32>
        %mul3A_698 = arith.constant 2 : i32
        %mul3A_699 = arith.muli %mul3A_698, %scan3A_462 : i32
        %add3A_700 = arith.constant 600 : i32
        %add3A_701 = arith.addi %add3A_700, %mul3A_699 : i32
        %add3A_702 = arith.constant 0 : i32
        %add3A_703 = arith.addi %add3A_701, %add3A_702 : i32
        %get3A_704 = arith.index_cast %add3A_703 : i32 to index
        %get3A_705 = arith.constant 16 : index
        %get3A_706 = tpu.vector_load %arg9[%get3A_704, %get3A_705] {strides = array<i32>} : memref<800x32xi32, #tpu.memory_space<vmem>>, vector<1x16xi32>,
        %get3A_707 = vector.shape_cast %get3A_706 : vector<1x16xi32> to vector<16xi32>
        %mul3A_708 = arith.constant 65536 : i32
        %mul3A_709 = vector.broadcast %mul3A_708 : i32 to vector<16xi32>
        %mul3A_710 = arith.muli %get3A_707, %mul3A_709 : vector<16xi32>
        %bitcast_convert_type3A_711 = tpu.bitcast %mul3A_710 : vector<16xi32> -> vector<16xf32>
        %bitcast_convert_type3A_712 = tpu.bitcast %get3A_707 : vector<16xi32> -> vector<16xf32>
        %add3A_713 = arith.addf %scan3A_477, %bitcast_convert_type3A_711 : vector<16xf32>
        %add3A_714 = arith.addf %scan3A_478, %bitcast_convert_type3A_712 : vector<16xf32>
        %mul3A_715 = arith.constant 2 : i32
        %mul3A_716 = arith.muli %mul3A_715, %scan3A_462 : i32
        %add3A_717 = arith.constant 600 : i32
        %add3A_718 = arith.addi %add3A_717, %mul3A_716 : i32
        %add3A_719 = arith.constant 1 : i32
        %add3A_720 = arith.addi %add3A_718, %add3A_719 : i32
        %get3A_721 = arith.index_cast %add3A_720 : i32 to index
        %get3A_722 = arith.constant 0 : index
        %get3A_723 = tpu.vector_load %arg9[%get3A_721, %get3A_722] {strides = array<i32>} : memref<800x32xi32, #tpu.memory_space<vmem>>, vector<1x16xi32>,
        %get3A_724 = vector.shape_cast %get3A_723 : vector<1x16xi32> to vector<16xi32>
        %mul3A_725 = arith.constant 65536 : i32
        %mul3A_726 = vector.broadcast %mul3A_725 : i32 to vector<16xi32>
        %mul3A_727 = arith.muli %get3A_724, %mul3A_726 : vector<16xi32>
        %bitcast_convert_type3A_728 = tpu.bitcast %mul3A_727 : vector<16xi32> -> vector<16xf32>
        %bitcast_convert_type3A_729 = tpu.bitcast %get3A_724 : vector<16xi32> -> vector<16xf32>
        %add3A_730 = arith.addf %add3A_696, %bitcast_convert_type3A_728 : vector<16xf32>
        %add3A_731 = arith.addf %add3A_697, %bitcast_convert_type3A_729 : vector<16xf32>
        %mul3A_732 = arith.constant 2 : i32
        %mul3A_733 = arith.muli %mul3A_732, %scan3A_462 : i32
        %add3A_734 = arith.constant 600 : i32
        %add3A_735 = arith.addi %add3A_734, %mul3A_733 : i32
        %add3A_736 = arith.constant 1 : i32
        %add3A_737 = arith.addi %add3A_735, %add3A_736 : i32
        %get3A_738 = arith.index_cast %add3A_737 : i32 to index
        %get3A_739 = arith.constant 16 : index
        %get3A_740 = tpu.vector_load %arg9[%get3A_738, %get3A_739] {strides = array<i32>} : memref<800x32xi32, #tpu.memory_space<vmem>>, vector<1x16xi32>,
        %get3A_741 = vector.shape_cast %get3A_740 : vector<1x16xi32> to vector<16xi32>
        %mul3A_742 = arith.constant 65536 : i32
        %mul3A_743 = vector.broadcast %mul3A_742 : i32 to vector<16xi32>
        %mul3A_744 = arith.muli %get3A_741, %mul3A_743 : vector<16xi32>
        %bitcast_convert_type3A_745 = tpu.bitcast %mul3A_744 : vector<16xi32> -> vector<16xf32>
        %bitcast_convert_type3A_746 = tpu.bitcast %get3A_741 : vector<16xi32> -> vector<16xf32>
        %add3A_747 = arith.addf %add3A_713, %bitcast_convert_type3A_745 : vector<16xf32>
        %add3A_748 = arith.addf %add3A_714, %bitcast_convert_type3A_746 : vector<16xf32>
        scf.yield %add3A_526, %add3A_527, %add3A_543, %add3A_544, %add3A_594, %add3A_595, %add3A_611, %add3A_612, %add3A_662, %add3A_663, %add3A_679, %add3A_680, %add3A_730, %add3A_731, %add3A_747, %add3A_748 : vector<16xf32>, vector<16xf32>, vector<16xf32>, vector<16xf32>, vector<16xf32>, vector<16xf32>, vector<16xf32>, vector<16xf32>, vector<16xf32>, vector<16xf32>, vector<16xf32>, vector<16xf32>, vector<16xf32>, vector<16xf32>, vector<16xf32>, vector<16xf32>
      }
      %scan3A_104 = arith.constant 100 : i32
      %mul3A_105 = arith.constant 4 : i32
      %mul3A_106 = arith.muli %add3A_64, %mul3A_105 : i32
      %add3A_107 = arith.constant 0 : i32
      %add3A_108 = arith.addi %mul3A_106, %add3A_107 : i32
      %swap3A = arith.index_cast %add3A_108 : i32 to index
      %swap3A_109 = arith.constant 0 : index
      %swap3A_110 = tpu.vector_load %arg11[%swap3A, %swap3A_109] {strides = array<i32>} : memref<128x64xf32, #tpu.memory_space<vmem>>, vector<1x16xf32>,
      %swap3A_111 = vector.shape_cast %swap3A_110 : vector<1x16xf32> to vector<16xf32>
      %swap3A_112 = vector.shape_cast %scan3A_103#0 : vector<16xf32> to vector<1x16xf32>
      tpu.vector_store %arg11[%swap3A, %swap3A_109], %swap3A_112 {strides = array<i32>} : memref<128x64xf32, #tpu.memory_space<vmem>>, vector<1x16xf32>,
      %mul3A_113 = arith.constant 4 : i32
      %mul3A_114 = arith.muli %add3A_64, %mul3A_113 : i32
      %add3A_115 = arith.constant 0 : i32
      %add3A_116 = arith.addi %mul3A_114, %add3A_115 : i32
      %swap3A_117 = arith.index_cast %add3A_116 : i32 to index
      %swap3A_118 = arith.constant 16 : index
      %swap3A_119 = tpu.vector_load %arg11[%swap3A_117, %swap3A_118] {strides = array<i32>} : memref<128x64xf32, #tpu.memory_space<vmem>>, vector<1x16xf32>,
      %swap3A_120 = vector.shape_cast %swap3A_119 : vector<1x16xf32> to vector<16xf32>
      %swap3A_121 = vector.shape_cast %scan3A_103#1 : vector<16xf32> to vector<1x16xf32>
      tpu.vector_store %arg11[%swap3A_117, %swap3A_118], %swap3A_121 {strides = array<i32>} : memref<128x64xf32, #tpu.memory_space<vmem>>, vector<1x16xf32>,
      %mul3A_122 = arith.constant 4 : i32
      %mul3A_123 = arith.muli %add3A_64, %mul3A_122 : i32
      %add3A_124 = arith.constant 0 : i32
      %add3A_125 = arith.addi %mul3A_123, %add3A_124 : i32
      %swap3A_126 = arith.index_cast %add3A_125 : i32 to index
      %swap3A_127 = arith.constant 32 : index
      %swap3A_128 = tpu.vector_load %arg11[%swap3A_126, %swap3A_127] {strides = array<i32>} : memref<128x64xf32, #tpu.memory_space<vmem>>, vector<1x16xf32>,
      %swap3A_129 = vector.shape_cast %swap3A_128 : vector<1x16xf32> to vector<16xf32>
      %swap3A_130 = vector.shape_cast %scan3A_103#2 : vector<16xf32> to vector<1x16xf32>
      tpu.vector_store %arg11[%swap3A_126, %swap3A_127], %swap3A_130 {strides = array<i32>} : memref<128x64xf32, #tpu.memory_space<vmem>>, vector<1x16xf32>,
      %mul3A_131 = arith.constant 4 : i32
      %mul3A_132 = arith.muli %add3A_64, %mul3A_131 : i32
      %add3A_133 = arith.constant 0 : i32
      %add3A_134 = arith.addi %mul3A_132, %add3A_133 : i32
      %swap3A_135 = arith.index_cast %add3A_134 : i32 to index
      %swap3A_136 = arith.constant 48 : index
      %swap3A_137 = tpu.vector_load %arg11[%swap3A_135, %swap3A_136] {strides = array<i32>} : memref<128x64xf32, #tpu.memory_space<vmem>>, vector<1x16xf32>,
      %swap3A_138 = vector.shape_cast %swap3A_137 : vector<1x16xf32> to vector<16xf32>
      %swap3A_139 = vector.shape_cast %scan3A_103#3 : vector<16xf32> to vector<1x16xf32>
      tpu.vector_store %arg11[%swap3A_135, %swap3A_136], %swap3A_139 {strides = array<i32>} : memref<128x64xf32, #tpu.memory_space<vmem>>, vector<1x16xf32>,
      %mul3A_140 = arith.constant 4 : i32
      %mul3A_141 = arith.muli %add3A_64, %mul3A_140 : i32
      %add3A_142 = arith.constant 1 : i32
      %add3A_143 = arith.addi %mul3A_141, %add3A_142 : i32
      %swap3A_144 = arith.index_cast %add3A_143 : i32 to index
      %swap3A_145 = arith.constant 0 : index
      %swap3A_146 = tpu.vector_load %arg11[%swap3A_144, %swap3A_145] {strides = array<i32>} : memref<128x64xf32, #tpu.memory_space<vmem>>, vector<1x16xf32>,
      %swap3A_147 = vector.shape_cast %swap3A_146 : vector<1x16xf32> to vector<16xf32>
      %swap3A_148 = vector.shape_cast %scan3A_103#4 : vector<16xf32> to vector<1x16xf32>
      tpu.vector_store %arg11[%swap3A_144, %swap3A_145], %swap3A_148 {strides = array<i32>} : memref<128x64xf32, #tpu.memory_space<vmem>>, vector<1x16xf32>,
      %mul3A_149 = arith.constant 4 : i32
      %mul3A_150 = arith.muli %add3A_64, %mul3A_149 : i32
      %add3A_151 = arith.constant 1 : i32
      %add3A_152 = arith.addi %mul3A_150, %add3A_151 : i32
      %swap3A_153 = arith.index_cast %add3A_152 : i32 to index
      %swap3A_154 = arith.constant 16 : index
      %swap3A_155 = tpu.vector_load %arg11[%swap3A_153, %swap3A_154] {strides = array<i32>} : memref<128x64xf32, #tpu.memory_space<vmem>>, vector<1x16xf32>,
      %swap3A_156 = vector.shape_cast %swap3A_155 : vector<1x16xf32> to vector<16xf32>
      %swap3A_157 = vector.shape_cast %scan3A_103#5 : vector<16xf32> to vector<1x16xf32>
      tpu.vector_store %arg11[%swap3A_153, %swap3A_154], %swap3A_157 {strides = array<i32>} : memref<128x64xf32, #tpu.memory_space<vmem>>, vector<1x16xf32>,
      %mul3A_158 = arith.constant 4 : i32
      %mul3A_159 = arith.muli %add3A_64, %mul3A_158 : i32
      %add3A_160 = arith.constant 1 : i32
      %add3A_161 = arith.addi %mul3A_159, %add3A_160 : i32
      %swap3A_162 = arith.index_cast %add3A_161 : i32 to index
      %swap3A_163 = arith.constant 32 : index
      %swap3A_164 = tpu.vector_load %arg11[%swap3A_162, %swap3A_163] {strides = array<i32>} : memref<128x64xf32, #tpu.memory_space<vmem>>, vector<1x16xf32>,
      %swap3A_165 = vector.shape_cast %swap3A_164 : vector<1x16xf32> to vector<16xf32>
      %swap3A_166 = vector.shape_cast %scan3A_103#6 : vector<16xf32> to vector<1x16xf32>
      tpu.vector_store %arg11[%swap3A_162, %swap3A_163], %swap3A_166 {strides = array<i32>} : memref<128x64xf32, #tpu.memory_space<vmem>>, vector<1x16xf32>,
      %mul3A_167 = arith.constant 4 : i32
      %mul3A_168 = arith.muli %add3A_64, %mul3A_167 : i32
      %add3A_169 = arith.constant 1 : i32
      %add3A_170 = arith.addi %mul3A_168, %add3A_169 : i32
      %swap3A_171 = arith.index_cast %add3A_170 : i32 to index
      %swap3A_172 = arith.constant 48 : index
      %swap3A_173 = tpu.vector_load %arg11[%swap3A_171, %swap3A_172] {strides = array<i32>} : memref<128x64xf32, #tpu.memory_space<vmem>>, vector<1x16xf32>,
      %swap3A_174 = vector.shape_cast %swap3A_173 : vector<1x16xf32> to vector<16xf32>
      %swap3A_175 = vector.shape_cast %scan3A_103#7 : vector<16xf32> to vector<1x16xf32>
      tpu.vector_store %arg11[%swap3A_171, %swap3A_172], %swap3A_175 {strides = array<i32>} : memref<128x64xf32, #tpu.memory_space<vmem>>, vector<1x16xf32>,
      %mul3A_176 = arith.constant 4 : i32
      %mul3A_177 = arith.muli %add3A_64, %mul3A_176 : i32
      %add3A_178 = arith.constant 2 : i32
      %add3A_179 = arith.addi %mul3A_177, %add3A_178 : i32
      %swap3A_180 = arith.index_cast %add3A_179 : i32 to index
      %swap3A_181 = arith.constant 0 : index
      %swap3A_182 = tpu.vector_load %arg11[%swap3A_180, %swap3A_181] {strides = array<i32>} : memref<128x64xf32, #tpu.memory_space<vmem>>, vector<1x16xf32>,
      %swap3A_183 = vector.shape_cast %swap3A_182 : vector<1x16xf32> to vector<16xf32>
      %swap3A_184 = vector.shape_cast %scan3A_103#8 : vector<16xf32> to vector<1x16xf32>
      tpu.vector_store %arg11[%swap3A_180, %swap3A_181], %swap3A_184 {strides = array<i32>} : memref<128x64xf32, #tpu.memory_space<vmem>>, vector<1x16xf32>,
      %mul3A_185 = arith.constant 4 : i32
      %mul3A_186 = arith.muli %add3A_64, %mul3A_185 : i32
      %add3A_187 = arith.constant 2 : i32
      %add3A_188 = arith.addi %mul3A_186, %add3A_187 : i32
      %swap3A_189 = arith.index_cast %add3A_188 : i32 to index
      %swap3A_190 = arith.constant 16 : index
      %swap3A_191 = tpu.vector_load %arg11[%swap3A_189, %swap3A_190] {strides = array<i32>} : memref<128x64xf32, #tpu.memory_space<vmem>>, vector<1x16xf32>,
      %swap3A_192 = vector.shape_cast %swap3A_191 : vector<1x16xf32> to vector<16xf32>
      %swap3A_193 = vector.shape_cast %scan3A_103#9 : vector<16xf32> to vector<1x16xf32>
      tpu.vector_store %arg11[%swap3A_189, %swap3A_190], %swap3A_193 {strides = array<i32>} : memref<128x64xf32, #tpu.memory_space<vmem>>, vector<1x16xf32>,
      %mul3A_194 = arith.constant 4 : i32
      %mul3A_195 = arith.muli %add3A_64, %mul3A_194 : i32
      %add3A_196 = arith.constant 2 : i32
      %add3A_197 = arith.addi %mul3A_195, %add3A_196 : i32
      %swap3A_198 = arith.index_cast %add3A_197 : i32 to index
      %swap3A_199 = arith.constant 32 : index
      %swap3A_200 = tpu.vector_load %arg11[%swap3A_198, %swap3A_199] {strides = array<i32>} : memref<128x64xf32, #tpu.memory_space<vmem>>, vector<1x16xf32>,
      %swap3A_201 = vector.shape_cast %swap3A_200 : vector<1x16xf32> to vector<16xf32>
      %swap3A_202 = vector.shape_cast %scan3A_103#10 : vector<16xf32> to vector<1x16xf32>
      tpu.vector_store %arg11[%swap3A_198, %swap3A_199], %swap3A_202 {strides = array<i32>} : memref<128x64xf32, #tpu.memory_space<vmem>>, vector<1x16xf32>,
      %mul3A_203 = arith.constant 4 : i32
      %mul3A_204 = arith.muli %add3A_64, %mul3A_203 : i32
      %add3A_205 = arith.constant 2 : i32
      %add3A_206 = arith.addi %mul3A_204, %add3A_205 : i32
      %swap3A_207 = arith.index_cast %add3A_206 : i32 to index
      %swap3A_208 = arith.constant 48 : index
      %swap3A_209 = tpu.vector_load %arg11[%swap3A_207, %swap3A_208] {strides = array<i32>} : memref<128x64xf32, #tpu.memory_space<vmem>>, vector<1x16xf32>,
      %swap3A_210 = vector.shape_cast %swap3A_209 : vector<1x16xf32> to vector<16xf32>
      %swap3A_211 = vector.shape_cast %scan3A_103#11 : vector<16xf32> to vector<1x16xf32>
      tpu.vector_store %arg11[%swap3A_207, %swap3A_208], %swap3A_211 {strides = array<i32>} : memref<128x64xf32, #tpu.memory_space<vmem>>, vector<1x16xf32>,
      %mul3A_212 = arith.constant 4 : i32
      %mul3A_213 = arith.muli %add3A_64, %mul3A_212 : i32
      %add3A_214 = arith.constant 3 : i32
      %add3A_215 = arith.addi %mul3A_213, %add3A_214 : i32
      %swap3A_216 = arith.index_cast %add3A_215 : i32 to index
      %swap3A_217 = arith.constant 0 : index
      %swap3A_218 = tpu.vector_load %arg11[%swap3A_216, %swap3A_217] {strides = array<i32>} : memref<128x64xf32, #tpu.memory_space<vmem>>, vector<1x16xf32>,
      %swap3A_219 = vector.shape_cast %swap3A_218 : vector<1x16xf32> to vector<16xf32>
      %swap3A_220 = vector.shape_cast %scan3A_103#12 : vector<16xf32> to vector<1x16xf32>
      tpu.vector_store %arg11[%swap3A_216, %swap3A_217], %swap3A_220 {strides = array<i32>} : memref<128x64xf32, #tpu.memory_space<vmem>>, vector<1x16xf32>,
      %mul3A_221 = arith.constant 4 : i32
      %mul3A_222 = arith.muli %add3A_64, %mul3A_221 : i32
      %add3A_223 = arith.constant 3 : i32
      %add3A_224 = arith.addi %mul3A_222, %add3A_223 : i32
      %swap3A_225 = arith.index_cast %add3A_224 : i32 to index
      %swap3A_226 = arith.constant 16 : index
      %swap3A_227 = tpu.vector_load %arg11[%swap3A_225, %swap3A_226] {strides = array<i32>} : memref<128x64xf32, #tpu.memory_space<vmem>>, vector<1x16xf32>,
      %swap3A_228 = vector.shape_cast %swap3A_227 : vector<1x16xf32> to vector<16xf32>
      %swap3A_229 = vector.shape_cast %scan3A_103#13 : vector<16xf32> to vector<1x16xf32>
      tpu.vector_store %arg11[%swap3A_225, %swap3A_226], %swap3A_229 {strides = array<i32>} : memref<128x64xf32, #tpu.memory_space<vmem>>, vector<1x16xf32>,
      %mul3A_230 = arith.constant 4 : i32
      %mul3A_231 = arith.muli %add3A_64, %mul3A_230 : i32
      %add3A_232 = arith.constant 3 : i32
      %add3A_233 = arith.addi %mul3A_231, %add3A_232 : i32
      %swap3A_234 = arith.index_cast %add3A_233 : i32 to index
      %swap3A_235 = arith.constant 32 : index
      %swap3A_236 = tpu.vector_load %arg11[%swap3A_234, %swap3A_235] {strides = array<i32>} : memref<128x64xf32, #tpu.memory_space<vmem>>, vector<1x16xf32>,
      %swap3A_237 = vector.shape_cast %swap3A_236 : vector<1x16xf32> to vector<16xf32>
      %swap3A_238 = vector.shape_cast %scan3A_103#14 : vector<16xf32> to vector<1x16xf32>
      tpu.vector_store %arg11[%swap3A_234, %swap3A_235], %swap3A_238 {strides = array<i32>} : memref<128x64xf32, #tpu.memory_space<vmem>>, vector<1x16xf32>,
      %mul3A_239 = arith.constant 4 : i32
      %mul3A_240 = arith.muli %add3A_64, %mul3A_239 : i32
      %add3A_241 = arith.constant 3 : i32
      %add3A_242 = arith.addi %mul3A_240, %add3A_241 : i32
      %swap3A_243 = arith.index_cast %add3A_242 : i32 to index
      %swap3A_244 = arith.constant 48 : index
      %swap3A_245 = tpu.vector_load %arg11[%swap3A_243, %swap3A_244] {strides = array<i32>} : memref<128x64xf32, #tpu.memory_space<vmem>>, vector<1x16xf32>,
      %swap3A_246 = vector.shape_cast %swap3A_245 : vector<1x16xf32> to vector<16xf32>
      %swap3A_247 = vector.shape_cast %scan3A_103#15 : vector<16xf32> to vector<1x16xf32>
      tpu.vector_store %arg11[%swap3A_243, %swap3A_244], %swap3A_247 {strides = array<i32>} : memref<128x64xf32, #tpu.memory_space<vmem>>, vector<1x16xf32>,
      %add3A_248 = arith.constant 2 : i32
      %add3A_249 = arith.addi %add3A_64, %add3A_248 : i32
      %lt3A = arith.constant 32 : i32
      %lt3A_250 = arith.cmpi slt, %add3A_249, %lt3A : i32
      %convert_element_type3A = arith.extui %lt3A_250 : i1 to i32
      %cond3A = arith.constant 0 : i32
      %cond3A_251 = arith.cmpi ne, %convert_element_type3A, %cond3A : i32
      scf.if %cond3A_251 {
        %add3A_462 = arith.constant 2 : i32
        %add3A_463 = arith.addi %add3A_64, %add3A_462 : i32
        %mul3A_464 = arith.constant 200 : i32
        %mul3A_465 = arith.muli %mul3A_2, %mul3A_464 : i32
        %mul3A_466 = arith.constant 800 : i32
        %mul3A_467 = arith.muli %add3A_463, %mul3A_466 : i32
        %add3A_468 = arith.addi %mul3A_465, %mul3A_467 : i32
        %dma_wait3A_469 = tpu.memref_slice %arg2[%add3A_468] : memref<819200xi32, #tpu.memory_space<hbm>> -> memref<800xi32, #tpu.memory_space<hbm>>
        %dma_wait3A_470 = tpu.memref_slice %arg2[%add3A_468] : memref<819200xi32, #tpu.memory_space<hbm>> -> memref<800xi32, #tpu.memory_space<hbm>>
        tpu.wait_dma2 semaphore(%arg14 : memref<!tpu.dma_semaphore, #tpu.memory_space<semaphore_mem>>) src(%dma_wait3A_470 : memref<800xi32, #tpu.memory_space<hbm>>) dst(%arg5 : memref<800xi32, #tpu.memory_space<vmem>>)
        %scan3A_471 = arith.constant 0 : i32
        %scan3A_472 = arith.constant 0 : i32
        %scan3A_473 = arith.constant 50 : i32
        %scan3A_474 = arith.addi %scan3A_472, %scan3A_473 : i32
        %scan3A_475 = arith.constant 1 : i32
        scf.for %scan3A_480 = %scan3A_472 to %scan3A_474 step %scan3A_475  : i32 {
          %mul3A_481 = arith.constant 16 : i32
          %mul3A_482 = arith.muli %mul3A_481, %scan3A_480 : i32
          %get3A = arith.index_cast %mul3A_482 : i32 to index
          %get3A_483 = tpu.vector_load %arg5[%get3A] {strides = array<i32>} : memref<800xi32, #tpu.memory_space<vmem>>, vector<16xi32>,
          %get3A_484 = vector.shape_cast %get3A_483 : vector<16xi32> to vector<16xi32>
          %and3A = arith.constant -32768 : i32
          %and3A_485 = vector.broadcast %and3A : i32 to vector<16xi32>
          %and3A_486 = arith.andi %get3A_484, %and3A_485 : vector<16xi32>
          %and3A_487 = arith.constant 8191 : i32
          %and3A_488 = vector.broadcast %and3A_487 : i32 to vector<16xi32>
          %and3A_489 = arith.andi %get3A_484, %and3A_488 : vector<16xi32>
          %shift_left3A = arith.constant 2 : i32
          %shift_left3A_490 = vector.broadcast %shift_left3A : i32 to vector<16xi32>
          %shift_left3A_491 = arith.shli %and3A_489, %shift_left3A_490 : vector<16xi32>
          %or3A = arith.ori %and3A_486, %shift_left3A_491 : vector<16xi32>
          %shift_right_arithmetic3A = arith.constant 13 : i32
          %shift_right_arithmetic3A_492 = vector.broadcast %shift_right_arithmetic3A : i32 to vector<16xi32>
          %shift_right_arithmetic3A_493 = arith.shrsi %get3A_484, %shift_right_arithmetic3A_492 : vector<16xi32>
          %and3A_494 = arith.constant 3 : i32
          %and3A_495 = vector.broadcast %and3A_494 : i32 to vector<16xi32>
          %and3A_496 = arith.andi %shift_right_arithmetic3A_493, %and3A_495 : vector<16xi32>
          %or3A_497 = arith.ori %or3A, %and3A_496 : vector<16xi32>
          %mul3A_498 = arith.constant 16 : i32
          %mul3A_499 = arith.muli %mul3A_498, %scan3A_480 : i32
          %swap3A_500 = arith.index_cast %mul3A_499 : i32 to index
          %swap3A_501 = tpu.vector_load %arg7[%swap3A_500] {strides = array<i32>} : memref<800xi32, #tpu.memory_space<vmem>>, vector<16xi32>,
          %swap3A_502 = vector.shape_cast %swap3A_501 : vector<16xi32> to vector<16xi32>
          %swap3A_503 = vector.shape_cast %or3A_497 : vector<16xi32> to vector<16xi32>
          tpu.vector_store %arg7[%swap3A_500], %swap3A_503 {strides = array<i32>} : memref<800xi32, #tpu.memory_space<vmem>>, vector<16xi32>,
        }
        %scan3A_476 = arith.constant 50 : i32
        %dma_start3A_477 = arith.constant 0 : i32
        %dma_start3A_478 = arith.constant 0 : i32
        %dma_start3A_479 = tpu.memref_slice %arg3[%dma_start3A_477, %dma_start3A_478] : memref<1015808x32xi32, #tpu.memory_space<hbm>> -> memref<1015808x32xi32, #tpu.memory_space<hbm>>
        tpu.enqueue_indirect_dma source(%dma_start3A_479 : memref<1015808x32xi32, #tpu.memory_space<hbm>>) target(%arg9 : memref<800x32xi32, #tpu.memory_space<vmem>>) offsets(%arg7 : memref<800xi32, #tpu.memory_space<vmem>>) semaphore(%arg12 : memref<!tpu.dma_semaphore, #tpu.memory_space<semaphore_mem>>)
      } else {
      }
      %add3A_252 = arith.constant 4 : i32
      %add3A_253 = arith.addi %add3A_64, %add3A_252 : i32
      %lt3A_254 = arith.constant 32 : i32
      %lt3A_255 = arith.cmpi slt, %add3A_253, %lt3A_254 : i32
      %convert_element_type3A_256 = arith.extui %lt3A_255 : i1 to i32
      %cond3A_257 = arith.constant 0 : i32
      %cond3A_258 = arith.cmpi ne, %convert_element_type3A_256, %cond3A_257 : i32
      scf.if %cond3A_258 {
        %add3A_462 = arith.constant 4 : i32
        %add3A_463 = arith.addi %add3A_64, %add3A_462 : i32
        %mul3A_464 = arith.constant 200 : i32
        %mul3A_465 = arith.muli %mul3A_2, %mul3A_464 : i32
        %mul3A_466 = arith.constant 800 : i32
        %mul3A_467 = arith.muli %add3A_463, %mul3A_466 : i32
        %add3A_468 = arith.addi %mul3A_465, %mul3A_467 : i32
        %dma_start3A_469 = tpu.memref_slice %arg2[%add3A_468] : memref<819200xi32, #tpu.memory_space<hbm>> -> memref<800xi32, #tpu.memory_space<hbm>>
        %dma_start3A_470 = tpu.memref_slice %arg2[%add3A_468] : memref<819200xi32, #tpu.memory_space<hbm>> -> memref<800xi32, #tpu.memory_space<hbm>>
        tpu.enqueue_dma source(%dma_start3A_470 : memref<800xi32, #tpu.memory_space<hbm>>) target(%arg5 : memref<800xi32, #tpu.memory_space<vmem>>) target_semaphore(%arg14 : memref<!tpu.dma_semaphore, #tpu.memory_space<semaphore_mem>>)
      } else {
      }
      %mul3A_259 = arith.constant 2 : i32
      %mul3A_260 = arith.muli %mul3A_259, %scan3A_60 : i32
      %add3A_261 = arith.constant 1 : i32
      %add3A_262 = arith.addi %mul3A_260, %add3A_261 : i32
      %dma_wait3A_263 = arith.constant 0 : i32
      %dma_wait3A_264 = arith.constant 0 : i32
      %dma_wait3A_265 = tpu.memref_slice %arg3[%dma_wait3A_263, %dma_wait3A_264] : memref<1015808x32xi32, #tpu.memory_space<hbm>> -> memref<1015808x32xi32, #tpu.memory_space<hbm>>
      tpu.wait_indirect_dma semaphore(%arg13 : memref<!tpu.dma_semaphore, #tpu.memory_space<semaphore_mem>>) src(%dma_wait3A_265 : memref<1015808x32xi32, #tpu.memory_space<hbm>>) dst(%arg10 : memref<800x32xi32, #tpu.memory_space<vmem>>)
      %broadcast_in_dim3A_266 = arith.constant 0.000000e+00 : f32
      %broadcast_in_dim3A_267 = vector.broadcast %broadcast_in_dim3A_266 : f32 to vector<16xf32>
      %broadcast_in_dim3A_268 = arith.constant 0.000000e+00 : f32
      %broadcast_in_dim3A_269 = vector.broadcast %broadcast_in_dim3A_268 : f32 to vector<16xf32>
      %broadcast_in_dim3A_270 = arith.constant 0.000000e+00 : f32
      %broadcast_in_dim3A_271 = vector.broadcast %broadcast_in_dim3A_270 : f32 to vector<16xf32>
      %broadcast_in_dim3A_272 = arith.constant 0.000000e+00 : f32
      %broadcast_in_dim3A_273 = vector.broadcast %broadcast_in_dim3A_272 : f32 to vector<16xf32>
      %broadcast_in_dim3A_274 = arith.constant 0.000000e+00 : f32
      %broadcast_in_dim3A_275 = vector.broadcast %broadcast_in_dim3A_274 : f32 to vector<16xf32>
      %broadcast_in_dim3A_276 = arith.constant 0.000000e+00 : f32
      %broadcast_in_dim3A_277 = vector.broadcast %broadcast_in_dim3A_276 : f32 to vector<16xf32>
      %broadcast_in_dim3A_278 = arith.constant 0.000000e+00 : f32
      %broadcast_in_dim3A_279 = vector.broadcast %broadcast_in_dim3A_278 : f32 to vector<16xf32>
      %broadcast_in_dim3A_280 = arith.constant 0.000000e+00 : f32
      %broadcast_in_dim3A_281 = vector.broadcast %broadcast_in_dim3A_280 : f32 to vector<16xf32>
      %broadcast_in_dim3A_282 = arith.constant 0.000000e+00 : f32
      %broadcast_in_dim3A_283 = vector.broadcast %broadcast_in_dim3A_282 : f32 to vector<16xf32>
      %broadcast_in_dim3A_284 = arith.constant 0.000000e+00 : f32
      %broadcast_in_dim3A_285 = vector.broadcast %broadcast_in_dim3A_284 : f32 to vector<16xf32>
      %broadcast_in_dim3A_286 = arith.constant 0.000000e+00 : f32
      %broadcast_in_dim3A_287 = vector.broadcast %broadcast_in_dim3A_286 : f32 to vector<16xf32>
      %broadcast_in_dim3A_288 = arith.constant 0.000000e+00 : f32
      %broadcast_in_dim3A_289 = vector.broadcast %broadcast_in_dim3A_288 : f32 to vector<16xf32>
      %broadcast_in_dim3A_290 = arith.constant 0.000000e+00 : f32
      %broadcast_in_dim3A_291 = vector.broadcast %broadcast_in_dim3A_290 : f32 to vector<16xf32>
      %broadcast_in_dim3A_292 = arith.constant 0.000000e+00 : f32
      %broadcast_in_dim3A_293 = vector.broadcast %broadcast_in_dim3A_292 : f32 to vector<16xf32>
      %broadcast_in_dim3A_294 = arith.constant 0.000000e+00 : f32
      %broadcast_in_dim3A_295 = vector.broadcast %broadcast_in_dim3A_294 : f32 to vector<16xf32>
      %broadcast_in_dim3A_296 = arith.constant 0.000000e+00 : f32
      %broadcast_in_dim3A_297 = vector.broadcast %broadcast_in_dim3A_296 : f32 to vector<16xf32>
      %scan3A_298 = arith.constant 0 : i32
      %scan3A_299 = arith.constant 100 : i32
      %scan3A_300 = arith.addi %scan3A_298, %scan3A_299 : i32
      %scan3A_301 = arith.constant 1 : i32
      %scan3A_302:16 = scf.for %scan3A_462 = %scan3A_298 to %scan3A_300 step %scan3A_301 iter_args(%scan3A_463 = %broadcast_in_dim3A_267, %scan3A_464 = %broadcast_in_dim3A_269, %scan3A_465 = %broadcast_in_dim3A_271, %scan3A_466 = %broadcast_in_dim3A_273, %scan3A_467 = %broadcast_in_dim3A_275, %scan3A_468 = %broadcast_in_dim3A_277, %scan3A_469 = %broadcast_in_dim3A_279, %scan3A_470 = %broadcast_in_dim3A_281, %scan3A_471 = %broadcast_in_dim3A_283, %scan3A_472 = %broadcast_in_dim3A_285, %scan3A_473 = %broadcast_in_dim3A_287, %scan3A_474 = %broadcast_in_dim3A_289, %scan3A_475 = %broadcast_in_dim3A_291, %scan3A_476 = %broadcast_in_dim3A_293, %scan3A_477 = %broadcast_in_dim3A_295, %scan3A_478 = %broadcast_in_dim3A_297) -> (vector<16xf32>, vector<16xf32>, vector<16xf32>, vector<16xf32>, vector<16xf32>, vector<16xf32>, vector<16xf32>, vector<16xf32>, vector<16xf32>, vector<16xf32>, vector<16xf32>, vector<16xf32>, vector<16xf32>, vector<16xf32>, vector<16xf32>, vector<16xf32>)  : i32 {
        %mul3A_479 = arith.constant 2 : i32
        %mul3A_480 = arith.muli %mul3A_479, %scan3A_462 : i32
        %add3A_481 = arith.constant 0 : i32
        %add3A_482 = arith.addi %add3A_481, %mul3A_480 : i32
        %add3A_483 = arith.constant 0 : i32
        %add3A_484 = arith.addi %add3A_482, %add3A_483 : i32
        %get3A = arith.index_cast %add3A_484 : i32 to index
        %get3A_485 = arith.constant 0 : index
        %get3A_486 = tpu.vector_load %arg10[%get3A, %get3A_485] {strides = array<i32>} : memref<800x32xi32, #tpu.memory_space<vmem>>, vector<1x16xi32>,
        %get3A_487 = vector.shape_cast %get3A_486 : vector<1x16xi32> to vector<16xi32>
        %mul3A_488 = arith.constant 65536 : i32
        %mul3A_489 = vector.broadcast %mul3A_488 : i32 to vector<16xi32>
        %mul3A_490 = arith.muli %get3A_487, %mul3A_489 : vector<16xi32>
        %bitcast_convert_type3A = tpu.bitcast %mul3A_490 : vector<16xi32> -> vector<16xf32>
        %bitcast_convert_type3A_491 = tpu.bitcast %get3A_487 : vector<16xi32> -> vector<16xf32>
        %add3A_492 = arith.addf %scan3A_463, %bitcast_convert_type3A : vector<16xf32>
        %add3A_493 = arith.addf %scan3A_464, %bitcast_convert_type3A_491 : vector<16xf32>
        %mul3A_494 = arith.constant 2 : i32
        %mul3A_495 = arith.muli %mul3A_494, %scan3A_462 : i32
        %add3A_496 = arith.constant 0 : i32
        %add3A_497 = arith.addi %add3A_496, %mul3A_495 : i32
        %add3A_498 = arith.constant 0 : i32
        %add3A_499 = arith.addi %add3A_497, %add3A_498 : i32
        %get3A_500 = arith.index_cast %add3A_499 : i32 to index
        %get3A_501 = arith.constant 16 : index
        %get3A_502 = tpu.vector_load %arg10[%get3A_500, %get3A_501] {strides = array<i32>} : memref<800x32xi32, #tpu.memory_space<vmem>>, vector<1x16xi32>,
        %get3A_503 = vector.shape_cast %get3A_502 : vector<1x16xi32> to vector<16xi32>
        %mul3A_504 = arith.constant 65536 : i32
        %mul3A_505 = vector.broadcast %mul3A_504 : i32 to vector<16xi32>
        %mul3A_506 = arith.muli %get3A_503, %mul3A_505 : vector<16xi32>
        %bitcast_convert_type3A_507 = tpu.bitcast %mul3A_506 : vector<16xi32> -> vector<16xf32>
        %bitcast_convert_type3A_508 = tpu.bitcast %get3A_503 : vector<16xi32> -> vector<16xf32>
        %add3A_509 = arith.addf %scan3A_465, %bitcast_convert_type3A_507 : vector<16xf32>
        %add3A_510 = arith.addf %scan3A_466, %bitcast_convert_type3A_508 : vector<16xf32>
        %mul3A_511 = arith.constant 2 : i32
        %mul3A_512 = arith.muli %mul3A_511, %scan3A_462 : i32
        %add3A_513 = arith.constant 0 : i32
        %add3A_514 = arith.addi %add3A_513, %mul3A_512 : i32
        %add3A_515 = arith.constant 1 : i32
        %add3A_516 = arith.addi %add3A_514, %add3A_515 : i32
        %get3A_517 = arith.index_cast %add3A_516 : i32 to index
        %get3A_518 = arith.constant 0 : index
        %get3A_519 = tpu.vector_load %arg10[%get3A_517, %get3A_518] {strides = array<i32>} : memref<800x32xi32, #tpu.memory_space<vmem>>, vector<1x16xi32>,
        %get3A_520 = vector.shape_cast %get3A_519 : vector<1x16xi32> to vector<16xi32>
        %mul3A_521 = arith.constant 65536 : i32
        %mul3A_522 = vector.broadcast %mul3A_521 : i32 to vector<16xi32>
        %mul3A_523 = arith.muli %get3A_520, %mul3A_522 : vector<16xi32>
        %bitcast_convert_type3A_524 = tpu.bitcast %mul3A_523 : vector<16xi32> -> vector<16xf32>
        %bitcast_convert_type3A_525 = tpu.bitcast %get3A_520 : vector<16xi32> -> vector<16xf32>
        %add3A_526 = arith.addf %add3A_492, %bitcast_convert_type3A_524 : vector<16xf32>
        %add3A_527 = arith.addf %add3A_493, %bitcast_convert_type3A_525 : vector<16xf32>
        %mul3A_528 = arith.constant 2 : i32
        %mul3A_529 = arith.muli %mul3A_528, %scan3A_462 : i32
        %add3A_530 = arith.constant 0 : i32
        %add3A_531 = arith.addi %add3A_530, %mul3A_529 : i32
        %add3A_532 = arith.constant 1 : i32
        %add3A_533 = arith.addi %add3A_531, %add3A_532 : i32
        %get3A_534 = arith.index_cast %add3A_533 : i32 to index
        %get3A_535 = arith.constant 16 : index
        %get3A_536 = tpu.vector_load %arg10[%get3A_534, %get3A_535] {strides = array<i32>} : memref<800x32xi32, #tpu.memory_space<vmem>>, vector<1x16xi32>,
        %get3A_537 = vector.shape_cast %get3A_536 : vector<1x16xi32> to vector<16xi32>
        %mul3A_538 = arith.constant 65536 : i32
        %mul3A_539 = vector.broadcast %mul3A_538 : i32 to vector<16xi32>
        %mul3A_540 = arith.muli %get3A_537, %mul3A_539 : vector<16xi32>
        %bitcast_convert_type3A_541 = tpu.bitcast %mul3A_540 : vector<16xi32> -> vector<16xf32>
        %bitcast_convert_type3A_542 = tpu.bitcast %get3A_537 : vector<16xi32> -> vector<16xf32>
        %add3A_543 = arith.addf %add3A_509, %bitcast_convert_type3A_541 : vector<16xf32>
        %add3A_544 = arith.addf %add3A_510, %bitcast_convert_type3A_542 : vector<16xf32>
        %mul3A_545 = arith.constant 2 : i32
        %mul3A_546 = arith.muli %mul3A_545, %scan3A_462 : i32
        %add3A_547 = arith.constant 200 : i32
        %add3A_548 = arith.addi %add3A_547, %mul3A_546 : i32
        %add3A_549 = arith.constant 0 : i32
        %add3A_550 = arith.addi %add3A_548, %add3A_549 : i32
        %get3A_551 = arith.index_cast %add3A_550 : i32 to index
        %get3A_552 = arith.constant 0 : index
        %get3A_553 = tpu.vector_load %arg10[%get3A_551, %get3A_552] {strides = array<i32>} : memref<800x32xi32, #tpu.memory_space<vmem>>, vector<1x16xi32>,
        %get3A_554 = vector.shape_cast %get3A_553 : vector<1x16xi32> to vector<16xi32>
        %mul3A_555 = arith.constant 65536 : i32
        %mul3A_556 = vector.broadcast %mul3A_555 : i32 to vector<16xi32>
        %mul3A_557 = arith.muli %get3A_554, %mul3A_556 : vector<16xi32>
        %bitcast_convert_type3A_558 = tpu.bitcast %mul3A_557 : vector<16xi32> -> vector<16xf32>
        %bitcast_convert_type3A_559 = tpu.bitcast %get3A_554 : vector<16xi32> -> vector<16xf32>
        %add3A_560 = arith.addf %scan3A_467, %bitcast_convert_type3A_558 : vector<16xf32>
        %add3A_561 = arith.addf %scan3A_468, %bitcast_convert_type3A_559 : vector<16xf32>
        %mul3A_562 = arith.constant 2 : i32
        %mul3A_563 = arith.muli %mul3A_562, %scan3A_462 : i32
        %add3A_564 = arith.constant 200 : i32
        %add3A_565 = arith.addi %add3A_564, %mul3A_563 : i32
        %add3A_566 = arith.constant 0 : i32
        %add3A_567 = arith.addi %add3A_565, %add3A_566 : i32
        %get3A_568 = arith.index_cast %add3A_567 : i32 to index
        %get3A_569 = arith.constant 16 : index
        %get3A_570 = tpu.vector_load %arg10[%get3A_568, %get3A_569] {strides = array<i32>} : memref<800x32xi32, #tpu.memory_space<vmem>>, vector<1x16xi32>,
        %get3A_571 = vector.shape_cast %get3A_570 : vector<1x16xi32> to vector<16xi32>
        %mul3A_572 = arith.constant 65536 : i32
        %mul3A_573 = vector.broadcast %mul3A_572 : i32 to vector<16xi32>
        %mul3A_574 = arith.muli %get3A_571, %mul3A_573 : vector<16xi32>
        %bitcast_convert_type3A_575 = tpu.bitcast %mul3A_574 : vector<16xi32> -> vector<16xf32>
        %bitcast_convert_type3A_576 = tpu.bitcast %get3A_571 : vector<16xi32> -> vector<16xf32>
        %add3A_577 = arith.addf %scan3A_469, %bitcast_convert_type3A_575 : vector<16xf32>
        %add3A_578 = arith.addf %scan3A_470, %bitcast_convert_type3A_576 : vector<16xf32>
        %mul3A_579 = arith.constant 2 : i32
        %mul3A_580 = arith.muli %mul3A_579, %scan3A_462 : i32
        %add3A_581 = arith.constant 200 : i32
        %add3A_582 = arith.addi %add3A_581, %mul3A_580 : i32
        %add3A_583 = arith.constant 1 : i32
        %add3A_584 = arith.addi %add3A_582, %add3A_583 : i32
        %get3A_585 = arith.index_cast %add3A_584 : i32 to index
        %get3A_586 = arith.constant 0 : index
        %get3A_587 = tpu.vector_load %arg10[%get3A_585, %get3A_586] {strides = array<i32>} : memref<800x32xi32, #tpu.memory_space<vmem>>, vector<1x16xi32>,
        %get3A_588 = vector.shape_cast %get3A_587 : vector<1x16xi32> to vector<16xi32>
        %mul3A_589 = arith.constant 65536 : i32
        %mul3A_590 = vector.broadcast %mul3A_589 : i32 to vector<16xi32>
        %mul3A_591 = arith.muli %get3A_588, %mul3A_590 : vector<16xi32>
        %bitcast_convert_type3A_592 = tpu.bitcast %mul3A_591 : vector<16xi32> -> vector<16xf32>
        %bitcast_convert_type3A_593 = tpu.bitcast %get3A_588 : vector<16xi32> -> vector<16xf32>
        %add3A_594 = arith.addf %add3A_560, %bitcast_convert_type3A_592 : vector<16xf32>
        %add3A_595 = arith.addf %add3A_561, %bitcast_convert_type3A_593 : vector<16xf32>
        %mul3A_596 = arith.constant 2 : i32
        %mul3A_597 = arith.muli %mul3A_596, %scan3A_462 : i32
        %add3A_598 = arith.constant 200 : i32
        %add3A_599 = arith.addi %add3A_598, %mul3A_597 : i32
        %add3A_600 = arith.constant 1 : i32
        %add3A_601 = arith.addi %add3A_599, %add3A_600 : i32
        %get3A_602 = arith.index_cast %add3A_601 : i32 to index
        %get3A_603 = arith.constant 16 : index
        %get3A_604 = tpu.vector_load %arg10[%get3A_602, %get3A_603] {strides = array<i32>} : memref<800x32xi32, #tpu.memory_space<vmem>>, vector<1x16xi32>,
        %get3A_605 = vector.shape_cast %get3A_604 : vector<1x16xi32> to vector<16xi32>
        %mul3A_606 = arith.constant 65536 : i32
        %mul3A_607 = vector.broadcast %mul3A_606 : i32 to vector<16xi32>
        %mul3A_608 = arith.muli %get3A_605, %mul3A_607 : vector<16xi32>
        %bitcast_convert_type3A_609 = tpu.bitcast %mul3A_608 : vector<16xi32> -> vector<16xf32>
        %bitcast_convert_type3A_610 = tpu.bitcast %get3A_605 : vector<16xi32> -> vector<16xf32>
        %add3A_611 = arith.addf %add3A_577, %bitcast_convert_type3A_609 : vector<16xf32>
        %add3A_612 = arith.addf %add3A_578, %bitcast_convert_type3A_610 : vector<16xf32>
        %mul3A_613 = arith.constant 2 : i32
        %mul3A_614 = arith.muli %mul3A_613, %scan3A_462 : i32
        %add3A_615 = arith.constant 400 : i32
        %add3A_616 = arith.addi %add3A_615, %mul3A_614 : i32
        %add3A_617 = arith.constant 0 : i32
        %add3A_618 = arith.addi %add3A_616, %add3A_617 : i32
        %get3A_619 = arith.index_cast %add3A_618 : i32 to index
        %get3A_620 = arith.constant 0 : index
        %get3A_621 = tpu.vector_load %arg10[%get3A_619, %get3A_620] {strides = array<i32>} : memref<800x32xi32, #tpu.memory_space<vmem>>, vector<1x16xi32>,
        %get3A_622 = vector.shape_cast %get3A_621 : vector<1x16xi32> to vector<16xi32>
        %mul3A_623 = arith.constant 65536 : i32
        %mul3A_624 = vector.broadcast %mul3A_623 : i32 to vector<16xi32>
        %mul3A_625 = arith.muli %get3A_622, %mul3A_624 : vector<16xi32>
        %bitcast_convert_type3A_626 = tpu.bitcast %mul3A_625 : vector<16xi32> -> vector<16xf32>
        %bitcast_convert_type3A_627 = tpu.bitcast %get3A_622 : vector<16xi32> -> vector<16xf32>
        %add3A_628 = arith.addf %scan3A_471, %bitcast_convert_type3A_626 : vector<16xf32>
        %add3A_629 = arith.addf %scan3A_472, %bitcast_convert_type3A_627 : vector<16xf32>
        %mul3A_630 = arith.constant 2 : i32
        %mul3A_631 = arith.muli %mul3A_630, %scan3A_462 : i32
        %add3A_632 = arith.constant 400 : i32
        %add3A_633 = arith.addi %add3A_632, %mul3A_631 : i32
        %add3A_634 = arith.constant 0 : i32
        %add3A_635 = arith.addi %add3A_633, %add3A_634 : i32
        %get3A_636 = arith.index_cast %add3A_635 : i32 to index
        %get3A_637 = arith.constant 16 : index
        %get3A_638 = tpu.vector_load %arg10[%get3A_636, %get3A_637] {strides = array<i32>} : memref<800x32xi32, #tpu.memory_space<vmem>>, vector<1x16xi32>,
        %get3A_639 = vector.shape_cast %get3A_638 : vector<1x16xi32> to vector<16xi32>
        %mul3A_640 = arith.constant 65536 : i32
        %mul3A_641 = vector.broadcast %mul3A_640 : i32 to vector<16xi32>
        %mul3A_642 = arith.muli %get3A_639, %mul3A_641 : vector<16xi32>
        %bitcast_convert_type3A_643 = tpu.bitcast %mul3A_642 : vector<16xi32> -> vector<16xf32>
        %bitcast_convert_type3A_644 = tpu.bitcast %get3A_639 : vector<16xi32> -> vector<16xf32>
        %add3A_645 = arith.addf %scan3A_473, %bitcast_convert_type3A_643 : vector<16xf32>
        %add3A_646 = arith.addf %scan3A_474, %bitcast_convert_type3A_644 : vector<16xf32>
        %mul3A_647 = arith.constant 2 : i32
        %mul3A_648 = arith.muli %mul3A_647, %scan3A_462 : i32
        %add3A_649 = arith.constant 400 : i32
        %add3A_650 = arith.addi %add3A_649, %mul3A_648 : i32
        %add3A_651 = arith.constant 1 : i32
        %add3A_652 = arith.addi %add3A_650, %add3A_651 : i32
        %get3A_653 = arith.index_cast %add3A_652 : i32 to index
        %get3A_654 = arith.constant 0 : index
        %get3A_655 = tpu.vector_load %arg10[%get3A_653, %get3A_654] {strides = array<i32>} : memref<800x32xi32, #tpu.memory_space<vmem>>, vector<1x16xi32>,
        %get3A_656 = vector.shape_cast %get3A_655 : vector<1x16xi32> to vector<16xi32>
        %mul3A_657 = arith.constant 65536 : i32
        %mul3A_658 = vector.broadcast %mul3A_657 : i32 to vector<16xi32>
        %mul3A_659 = arith.muli %get3A_656, %mul3A_658 : vector<16xi32>
        %bitcast_convert_type3A_660 = tpu.bitcast %mul3A_659 : vector<16xi32> -> vector<16xf32>
        %bitcast_convert_type3A_661 = tpu.bitcast %get3A_656 : vector<16xi32> -> vector<16xf32>
        %add3A_662 = arith.addf %add3A_628, %bitcast_convert_type3A_660 : vector<16xf32>
        %add3A_663 = arith.addf %add3A_629, %bitcast_convert_type3A_661 : vector<16xf32>
        %mul3A_664 = arith.constant 2 : i32
        %mul3A_665 = arith.muli %mul3A_664, %scan3A_462 : i32
        %add3A_666 = arith.constant 400 : i32
        %add3A_667 = arith.addi %add3A_666, %mul3A_665 : i32
        %add3A_668 = arith.constant 1 : i32
        %add3A_669 = arith.addi %add3A_667, %add3A_668 : i32
        %get3A_670 = arith.index_cast %add3A_669 : i32 to index
        %get3A_671 = arith.constant 16 : index
        %get3A_672 = tpu.vector_load %arg10[%get3A_670, %get3A_671] {strides = array<i32>} : memref<800x32xi32, #tpu.memory_space<vmem>>, vector<1x16xi32>,
        %get3A_673 = vector.shape_cast %get3A_672 : vector<1x16xi32> to vector<16xi32>
        %mul3A_674 = arith.constant 65536 : i32
        %mul3A_675 = vector.broadcast %mul3A_674 : i32 to vector<16xi32>
        %mul3A_676 = arith.muli %get3A_673, %mul3A_675 : vector<16xi32>
        %bitcast_convert_type3A_677 = tpu.bitcast %mul3A_676 : vector<16xi32> -> vector<16xf32>
        %bitcast_convert_type3A_678 = tpu.bitcast %get3A_673 : vector<16xi32> -> vector<16xf32>
        %add3A_679 = arith.addf %add3A_645, %bitcast_convert_type3A_677 : vector<16xf32>
        %add3A_680 = arith.addf %add3A_646, %bitcast_convert_type3A_678 : vector<16xf32>
        %mul3A_681 = arith.constant 2 : i32
        %mul3A_682 = arith.muli %mul3A_681, %scan3A_462 : i32
        %add3A_683 = arith.constant 600 : i32
        %add3A_684 = arith.addi %add3A_683, %mul3A_682 : i32
        %add3A_685 = arith.constant 0 : i32
        %add3A_686 = arith.addi %add3A_684, %add3A_685 : i32
        %get3A_687 = arith.index_cast %add3A_686 : i32 to index
        %get3A_688 = arith.constant 0 : index
        %get3A_689 = tpu.vector_load %arg10[%get3A_687, %get3A_688] {strides = array<i32>} : memref<800x32xi32, #tpu.memory_space<vmem>>, vector<1x16xi32>,
        %get3A_690 = vector.shape_cast %get3A_689 : vector<1x16xi32> to vector<16xi32>
        %mul3A_691 = arith.constant 65536 : i32
        %mul3A_692 = vector.broadcast %mul3A_691 : i32 to vector<16xi32>
        %mul3A_693 = arith.muli %get3A_690, %mul3A_692 : vector<16xi32>
        %bitcast_convert_type3A_694 = tpu.bitcast %mul3A_693 : vector<16xi32> -> vector<16xf32>
        %bitcast_convert_type3A_695 = tpu.bitcast %get3A_690 : vector<16xi32> -> vector<16xf32>
        %add3A_696 = arith.addf %scan3A_475, %bitcast_convert_type3A_694 : vector<16xf32>
        %add3A_697 = arith.addf %scan3A_476, %bitcast_convert_type3A_695 : vector<16xf32>
        %mul3A_698 = arith.constant 2 : i32
        %mul3A_699 = arith.muli %mul3A_698, %scan3A_462 : i32
        %add3A_700 = arith.constant 600 : i32
        %add3A_701 = arith.addi %add3A_700, %mul3A_699 : i32
        %add3A_702 = arith.constant 0 : i32
        %add3A_703 = arith.addi %add3A_701, %add3A_702 : i32
        %get3A_704 = arith.index_cast %add3A_703 : i32 to index
        %get3A_705 = arith.constant 16 : index
        %get3A_706 = tpu.vector_load %arg10[%get3A_704, %get3A_705] {strides = array<i32>} : memref<800x32xi32, #tpu.memory_space<vmem>>, vector<1x16xi32>,
        %get3A_707 = vector.shape_cast %get3A_706 : vector<1x16xi32> to vector<16xi32>
        %mul3A_708 = arith.constant 65536 : i32
        %mul3A_709 = vector.broadcast %mul3A_708 : i32 to vector<16xi32>
        %mul3A_710 = arith.muli %get3A_707, %mul3A_709 : vector<16xi32>
        %bitcast_convert_type3A_711 = tpu.bitcast %mul3A_710 : vector<16xi32> -> vector<16xf32>
        %bitcast_convert_type3A_712 = tpu.bitcast %get3A_707 : vector<16xi32> -> vector<16xf32>
        %add3A_713 = arith.addf %scan3A_477, %bitcast_convert_type3A_711 : vector<16xf32>
        %add3A_714 = arith.addf %scan3A_478, %bitcast_convert_type3A_712 : vector<16xf32>
        %mul3A_715 = arith.constant 2 : i32
        %mul3A_716 = arith.muli %mul3A_715, %scan3A_462 : i32
        %add3A_717 = arith.constant 600 : i32
        %add3A_718 = arith.addi %add3A_717, %mul3A_716 : i32
        %add3A_719 = arith.constant 1 : i32
        %add3A_720 = arith.addi %add3A_718, %add3A_719 : i32
        %get3A_721 = arith.index_cast %add3A_720 : i32 to index
        %get3A_722 = arith.constant 0 : index
        %get3A_723 = tpu.vector_load %arg10[%get3A_721, %get3A_722] {strides = array<i32>} : memref<800x32xi32, #tpu.memory_space<vmem>>, vector<1x16xi32>,
        %get3A_724 = vector.shape_cast %get3A_723 : vector<1x16xi32> to vector<16xi32>
        %mul3A_725 = arith.constant 65536 : i32
        %mul3A_726 = vector.broadcast %mul3A_725 : i32 to vector<16xi32>
        %mul3A_727 = arith.muli %get3A_724, %mul3A_726 : vector<16xi32>
        %bitcast_convert_type3A_728 = tpu.bitcast %mul3A_727 : vector<16xi32> -> vector<16xf32>
        %bitcast_convert_type3A_729 = tpu.bitcast %get3A_724 : vector<16xi32> -> vector<16xf32>
        %add3A_730 = arith.addf %add3A_696, %bitcast_convert_type3A_728 : vector<16xf32>
        %add3A_731 = arith.addf %add3A_697, %bitcast_convert_type3A_729 : vector<16xf32>
        %mul3A_732 = arith.constant 2 : i32
        %mul3A_733 = arith.muli %mul3A_732, %scan3A_462 : i32
        %add3A_734 = arith.constant 600 : i32
        %add3A_735 = arith.addi %add3A_734, %mul3A_733 : i32
        %add3A_736 = arith.constant 1 : i32
        %add3A_737 = arith.addi %add3A_735, %add3A_736 : i32
        %get3A_738 = arith.index_cast %add3A_737 : i32 to index
        %get3A_739 = arith.constant 16 : index
        %get3A_740 = tpu.vector_load %arg10[%get3A_738, %get3A_739] {strides = array<i32>} : memref<800x32xi32, #tpu.memory_space<vmem>>, vector<1x16xi32>,
        %get3A_741 = vector.shape_cast %get3A_740 : vector<1x16xi32> to vector<16xi32>
        %mul3A_742 = arith.constant 65536 : i32
        %mul3A_743 = vector.broadcast %mul3A_742 : i32 to vector<16xi32>
        %mul3A_744 = arith.muli %get3A_741, %mul3A_743 : vector<16xi32>
        %bitcast_convert_type3A_745 = tpu.bitcast %mul3A_744 : vector<16xi32> -> vector<16xf32>
        %bitcast_convert_type3A_746 = tpu.bitcast %get3A_741 : vector<16xi32> -> vector<16xf32>
        %add3A_747 = arith.addf %add3A_713, %bitcast_convert_type3A_745 : vector<16xf32>
        %add3A_748 = arith.addf %add3A_714, %bitcast_convert_type3A_746 : vector<16xf32>
        scf.yield %add3A_526, %add3A_527, %add3A_543, %add3A_544, %add3A_594, %add3A_595, %add3A_611, %add3A_612, %add3A_662, %add3A_663, %add3A_679, %add3A_680, %add3A_730, %add3A_731, %add3A_747, %add3A_748 : vector<16xf32>, vector<16xf32>, vector<16xf32>, vector<16xf32>, vector<16xf32>, vector<16xf32>, vector<16xf32>, vector<16xf32>, vector<16xf32>, vector<16xf32>, vector<16xf32>, vector<16xf32>, vector<16xf32>, vector<16xf32>, vector<16xf32>, vector<16xf32>
      }
      %scan3A_303 = arith.constant 100 : i32
      %mul3A_304 = arith.constant 4 : i32
      %mul3A_305 = arith.muli %add3A_262, %mul3A_304 : i32
      %add3A_306 = arith.constant 0 : i32
      %add3A_307 = arith.addi %mul3A_305, %add3A_306 : i32
      %swap3A_308 = arith.index_cast %add3A_307 : i32 to index
      %swap3A_309 = arith.constant 0 : index
      %swap3A_310 = tpu.vector_load %arg11[%swap3A_308, %swap3A_309] {strides = array<i32>} : memref<128x64xf32, #tpu.memory_space<vmem>>, vector<1x16xf32>,
      %swap3A_311 = vector.shape_cast %swap3A_310 : vector<1x16xf32> to vector<16xf32>
      %swap3A_312 = vector.shape_cast %scan3A_302#0 : vector<16xf32> to vector<1x16xf32>
      tpu.vector_store %arg11[%swap3A_308, %swap3A_309], %swap3A_312 {strides = array<i32>} : memref<128x64xf32, #tpu.memory_space<vmem>>, vector<1x16xf32>,
      %mul3A_313 = arith.constant 4 : i32
      %mul3A_314 = arith.muli %add3A_262, %mul3A_313 : i32
      %add3A_315 = arith.constant 0 : i32
      %add3A_316 = arith.addi %mul3A_314, %add3A_315 : i32
      %swap3A_317 = arith.index_cast %add3A_316 : i32 to index
      %swap3A_318 = arith.constant 16 : index
      %swap3A_319 = tpu.vector_load %arg11[%swap3A_317, %swap3A_318] {strides = array<i32>} : memref<128x64xf32, #tpu.memory_space<vmem>>, vector<1x16xf32>,
      %swap3A_320 = vector.shape_cast %swap3A_319 : vector<1x16xf32> to vector<16xf32>
      %swap3A_321 = vector.shape_cast %scan3A_302#1 : vector<16xf32> to vector<1x16xf32>
      tpu.vector_store %arg11[%swap3A_317, %swap3A_318], %swap3A_321 {strides = array<i32>} : memref<128x64xf32, #tpu.memory_space<vmem>>, vector<1x16xf32>,
      %mul3A_322 = arith.constant 4 : i32
      %mul3A_323 = arith.muli %add3A_262, %mul3A_322 : i32
      %add3A_324 = arith.constant 0 : i32
      %add3A_325 = arith.addi %mul3A_323, %add3A_324 : i32
      %swap3A_326 = arith.index_cast %add3A_325 : i32 to index
      %swap3A_327 = arith.constant 32 : index
      %swap3A_328 = tpu.vector_load %arg11[%swap3A_326, %swap3A_327] {strides = array<i32>} : memref<128x64xf32, #tpu.memory_space<vmem>>, vector<1x16xf32>,
      %swap3A_329 = vector.shape_cast %swap3A_328 : vector<1x16xf32> to vector<16xf32>
      %swap3A_330 = vector.shape_cast %scan3A_302#2 : vector<16xf32> to vector<1x16xf32>
      tpu.vector_store %arg11[%swap3A_326, %swap3A_327], %swap3A_330 {strides = array<i32>} : memref<128x64xf32, #tpu.memory_space<vmem>>, vector<1x16xf32>,
      %mul3A_331 = arith.constant 4 : i32
      %mul3A_332 = arith.muli %add3A_262, %mul3A_331 : i32
      %add3A_333 = arith.constant 0 : i32
      %add3A_334 = arith.addi %mul3A_332, %add3A_333 : i32
      %swap3A_335 = arith.index_cast %add3A_334 : i32 to index
      %swap3A_336 = arith.constant 48 : index
      %swap3A_337 = tpu.vector_load %arg11[%swap3A_335, %swap3A_336] {strides = array<i32>} : memref<128x64xf32, #tpu.memory_space<vmem>>, vector<1x16xf32>,
      %swap3A_338 = vector.shape_cast %swap3A_337 : vector<1x16xf32> to vector<16xf32>
      %swap3A_339 = vector.shape_cast %scan3A_302#3 : vector<16xf32> to vector<1x16xf32>
      tpu.vector_store %arg11[%swap3A_335, %swap3A_336], %swap3A_339 {strides = array<i32>} : memref<128x64xf32, #tpu.memory_space<vmem>>, vector<1x16xf32>,
      %mul3A_340 = arith.constant 4 : i32
      %mul3A_341 = arith.muli %add3A_262, %mul3A_340 : i32
      %add3A_342 = arith.constant 1 : i32
      %add3A_343 = arith.addi %mul3A_341, %add3A_342 : i32
      %swap3A_344 = arith.index_cast %add3A_343 : i32 to index
      %swap3A_345 = arith.constant 0 : index
      %swap3A_346 = tpu.vector_load %arg11[%swap3A_344, %swap3A_345] {strides = array<i32>} : memref<128x64xf32, #tpu.memory_space<vmem>>, vector<1x16xf32>,
      %swap3A_347 = vector.shape_cast %swap3A_346 : vector<1x16xf32> to vector<16xf32>
      %swap3A_348 = vector.shape_cast %scan3A_302#4 : vector<16xf32> to vector<1x16xf32>
      tpu.vector_store %arg11[%swap3A_344, %swap3A_345], %swap3A_348 {strides = array<i32>} : memref<128x64xf32, #tpu.memory_space<vmem>>, vector<1x16xf32>,
      %mul3A_349 = arith.constant 4 : i32
      %mul3A_350 = arith.muli %add3A_262, %mul3A_349 : i32
      %add3A_351 = arith.constant 1 : i32
      %add3A_352 = arith.addi %mul3A_350, %add3A_351 : i32
      %swap3A_353 = arith.index_cast %add3A_352 : i32 to index
      %swap3A_354 = arith.constant 16 : index
      %swap3A_355 = tpu.vector_load %arg11[%swap3A_353, %swap3A_354] {strides = array<i32>} : memref<128x64xf32, #tpu.memory_space<vmem>>, vector<1x16xf32>,
      %swap3A_356 = vector.shape_cast %swap3A_355 : vector<1x16xf32> to vector<16xf32>
      %swap3A_357 = vector.shape_cast %scan3A_302#5 : vector<16xf32> to vector<1x16xf32>
      tpu.vector_store %arg11[%swap3A_353, %swap3A_354], %swap3A_357 {strides = array<i32>} : memref<128x64xf32, #tpu.memory_space<vmem>>, vector<1x16xf32>,
      %mul3A_358 = arith.constant 4 : i32
      %mul3A_359 = arith.muli %add3A_262, %mul3A_358 : i32
      %add3A_360 = arith.constant 1 : i32
      %add3A_361 = arith.addi %mul3A_359, %add3A_360 : i32
      %swap3A_362 = arith.index_cast %add3A_361 : i32 to index
      %swap3A_363 = arith.constant 32 : index
      %swap3A_364 = tpu.vector_load %arg11[%swap3A_362, %swap3A_363] {strides = array<i32>} : memref<128x64xf32, #tpu.memory_space<vmem>>, vector<1x16xf32>,
      %swap3A_365 = vector.shape_cast %swap3A_364 : vector<1x16xf32> to vector<16xf32>
      %swap3A_366 = vector.shape_cast %scan3A_302#6 : vector<16xf32> to vector<1x16xf32>
      tpu.vector_store %arg11[%swap3A_362, %swap3A_363], %swap3A_366 {strides = array<i32>} : memref<128x64xf32, #tpu.memory_space<vmem>>, vector<1x16xf32>,
      %mul3A_367 = arith.constant 4 : i32
      %mul3A_368 = arith.muli %add3A_262, %mul3A_367 : i32
      %add3A_369 = arith.constant 1 : i32
      %add3A_370 = arith.addi %mul3A_368, %add3A_369 : i32
      %swap3A_371 = arith.index_cast %add3A_370 : i32 to index
      %swap3A_372 = arith.constant 48 : index
      %swap3A_373 = tpu.vector_load %arg11[%swap3A_371, %swap3A_372] {strides = array<i32>} : memref<128x64xf32, #tpu.memory_space<vmem>>, vector<1x16xf32>,
      %swap3A_374 = vector.shape_cast %swap3A_373 : vector<1x16xf32> to vector<16xf32>
      %swap3A_375 = vector.shape_cast %scan3A_302#7 : vector<16xf32> to vector<1x16xf32>
      tpu.vector_store %arg11[%swap3A_371, %swap3A_372], %swap3A_375 {strides = array<i32>} : memref<128x64xf32, #tpu.memory_space<vmem>>, vector<1x16xf32>,
      %mul3A_376 = arith.constant 4 : i32
      %mul3A_377 = arith.muli %add3A_262, %mul3A_376 : i32
      %add3A_378 = arith.constant 2 : i32
      %add3A_379 = arith.addi %mul3A_377, %add3A_378 : i32
      %swap3A_380 = arith.index_cast %add3A_379 : i32 to index
      %swap3A_381 = arith.constant 0 : index
      %swap3A_382 = tpu.vector_load %arg11[%swap3A_380, %swap3A_381] {strides = array<i32>} : memref<128x64xf32, #tpu.memory_space<vmem>>, vector<1x16xf32>,
      %swap3A_383 = vector.shape_cast %swap3A_382 : vector<1x16xf32> to vector<16xf32>
      %swap3A_384 = vector.shape_cast %scan3A_302#8 : vector<16xf32> to vector<1x16xf32>
      tpu.vector_store %arg11[%swap3A_380, %swap3A_381], %swap3A_384 {strides = array<i32>} : memref<128x64xf32, #tpu.memory_space<vmem>>, vector<1x16xf32>,
      %mul3A_385 = arith.constant 4 : i32
      %mul3A_386 = arith.muli %add3A_262, %mul3A_385 : i32
      %add3A_387 = arith.constant 2 : i32
      %add3A_388 = arith.addi %mul3A_386, %add3A_387 : i32
      %swap3A_389 = arith.index_cast %add3A_388 : i32 to index
      %swap3A_390 = arith.constant 16 : index
      %swap3A_391 = tpu.vector_load %arg11[%swap3A_389, %swap3A_390] {strides = array<i32>} : memref<128x64xf32, #tpu.memory_space<vmem>>, vector<1x16xf32>,
      %swap3A_392 = vector.shape_cast %swap3A_391 : vector<1x16xf32> to vector<16xf32>
      %swap3A_393 = vector.shape_cast %scan3A_302#9 : vector<16xf32> to vector<1x16xf32>
      tpu.vector_store %arg11[%swap3A_389, %swap3A_390], %swap3A_393 {strides = array<i32>} : memref<128x64xf32, #tpu.memory_space<vmem>>, vector<1x16xf32>,
      %mul3A_394 = arith.constant 4 : i32
      %mul3A_395 = arith.muli %add3A_262, %mul3A_394 : i32
      %add3A_396 = arith.constant 2 : i32
      %add3A_397 = arith.addi %mul3A_395, %add3A_396 : i32
      %swap3A_398 = arith.index_cast %add3A_397 : i32 to index
      %swap3A_399 = arith.constant 32 : index
      %swap3A_400 = tpu.vector_load %arg11[%swap3A_398, %swap3A_399] {strides = array<i32>} : memref<128x64xf32, #tpu.memory_space<vmem>>, vector<1x16xf32>,
      %swap3A_401 = vector.shape_cast %swap3A_400 : vector<1x16xf32> to vector<16xf32>
      %swap3A_402 = vector.shape_cast %scan3A_302#10 : vector<16xf32> to vector<1x16xf32>
      tpu.vector_store %arg11[%swap3A_398, %swap3A_399], %swap3A_402 {strides = array<i32>} : memref<128x64xf32, #tpu.memory_space<vmem>>, vector<1x16xf32>,
      %mul3A_403 = arith.constant 4 : i32
      %mul3A_404 = arith.muli %add3A_262, %mul3A_403 : i32
      %add3A_405 = arith.constant 2 : i32
      %add3A_406 = arith.addi %mul3A_404, %add3A_405 : i32
      %swap3A_407 = arith.index_cast %add3A_406 : i32 to index
      %swap3A_408 = arith.constant 48 : index
      %swap3A_409 = tpu.vector_load %arg11[%swap3A_407, %swap3A_408] {strides = array<i32>} : memref<128x64xf32, #tpu.memory_space<vmem>>, vector<1x16xf32>,
      %swap3A_410 = vector.shape_cast %swap3A_409 : vector<1x16xf32> to vector<16xf32>
      %swap3A_411 = vector.shape_cast %scan3A_302#11 : vector<16xf32> to vector<1x16xf32>
      tpu.vector_store %arg11[%swap3A_407, %swap3A_408], %swap3A_411 {strides = array<i32>} : memref<128x64xf32, #tpu.memory_space<vmem>>, vector<1x16xf32>,
      %mul3A_412 = arith.constant 4 : i32
      %mul3A_413 = arith.muli %add3A_262, %mul3A_412 : i32
      %add3A_414 = arith.constant 3 : i32
      %add3A_415 = arith.addi %mul3A_413, %add3A_414 : i32
      %swap3A_416 = arith.index_cast %add3A_415 : i32 to index
      %swap3A_417 = arith.constant 0 : index
      %swap3A_418 = tpu.vector_load %arg11[%swap3A_416, %swap3A_417] {strides = array<i32>} : memref<128x64xf32, #tpu.memory_space<vmem>>, vector<1x16xf32>,
      %swap3A_419 = vector.shape_cast %swap3A_418 : vector<1x16xf32> to vector<16xf32>
      %swap3A_420 = vector.shape_cast %scan3A_302#12 : vector<16xf32> to vector<1x16xf32>
      tpu.vector_store %arg11[%swap3A_416, %swap3A_417], %swap3A_420 {strides = array<i32>} : memref<128x64xf32, #tpu.memory_space<vmem>>, vector<1x16xf32>,
      %mul3A_421 = arith.constant 4 : i32
      %mul3A_422 = arith.muli %add3A_262, %mul3A_421 : i32
      %add3A_423 = arith.constant 3 : i32
      %add3A_424 = arith.addi %mul3A_422, %add3A_423 : i32
      %swap3A_425 = arith.index_cast %add3A_424 : i32 to index
      %swap3A_426 = arith.constant 16 : index
      %swap3A_427 = tpu.vector_load %arg11[%swap3A_425, %swap3A_426] {strides = array<i32>} : memref<128x64xf32, #tpu.memory_space<vmem>>, vector<1x16xf32>,
      %swap3A_428 = vector.shape_cast %swap3A_427 : vector<1x16xf32> to vector<16xf32>
      %swap3A_429 = vector.shape_cast %scan3A_302#13 : vector<16xf32> to vector<1x16xf32>
      tpu.vector_store %arg11[%swap3A_425, %swap3A_426], %swap3A_429 {strides = array<i32>} : memref<128x64xf32, #tpu.memory_space<vmem>>, vector<1x16xf32>,
      %mul3A_430 = arith.constant 4 : i32
      %mul3A_431 = arith.muli %add3A_262, %mul3A_430 : i32
      %add3A_432 = arith.constant 3 : i32
      %add3A_433 = arith.addi %mul3A_431, %add3A_432 : i32
      %swap3A_434 = arith.index_cast %add3A_433 : i32 to index
      %swap3A_435 = arith.constant 32 : index
      %swap3A_436 = tpu.vector_load %arg11[%swap3A_434, %swap3A_435] {strides = array<i32>} : memref<128x64xf32, #tpu.memory_space<vmem>>, vector<1x16xf32>,
      %swap3A_437 = vector.shape_cast %swap3A_436 : vector<1x16xf32> to vector<16xf32>
      %swap3A_438 = vector.shape_cast %scan3A_302#14 : vector<16xf32> to vector<1x16xf32>
      tpu.vector_store %arg11[%swap3A_434, %swap3A_435], %swap3A_438 {strides = array<i32>} : memref<128x64xf32, #tpu.memory_space<vmem>>, vector<1x16xf32>,
      %mul3A_439 = arith.constant 4 : i32
      %mul3A_440 = arith.muli %add3A_262, %mul3A_439 : i32
      %add3A_441 = arith.constant 3 : i32
      %add3A_442 = arith.addi %mul3A_440, %add3A_441 : i32
      %swap3A_443 = arith.index_cast %add3A_442 : i32 to index
      %swap3A_444 = arith.constant 48 : index
      %swap3A_445 = tpu.vector_load %arg11[%swap3A_443, %swap3A_444] {strides = array<i32>} : memref<128x64xf32, #tpu.memory_space<vmem>>, vector<1x16xf32>,
      %swap3A_446 = vector.shape_cast %swap3A_445 : vector<1x16xf32> to vector<16xf32>
      %swap3A_447 = vector.shape_cast %scan3A_302#15 : vector<16xf32> to vector<1x16xf32>
      tpu.vector_store %arg11[%swap3A_443, %swap3A_444], %swap3A_447 {strides = array<i32>} : memref<128x64xf32, #tpu.memory_space<vmem>>, vector<1x16xf32>,
      %add3A_448 = arith.constant 2 : i32
      %add3A_449 = arith.addi %add3A_262, %add3A_448 : i32
      %lt3A_450 = arith.constant 32 : i32
      %lt3A_451 = arith.cmpi slt, %add3A_449, %lt3A_450 : i32
      %convert_element_type3A_452 = arith.extui %lt3A_451 : i1 to i32
      %cond3A_453 = arith.constant 0 : i32
      %cond3A_454 = arith.cmpi ne, %convert_element_type3A_452, %cond3A_453 : i32
      scf.if %cond3A_454 {
        %add3A_462 = arith.constant 2 : i32
        %add3A_463 = arith.addi %add3A_262, %add3A_462 : i32
        %mul3A_464 = arith.constant 200 : i32
        %mul3A_465 = arith.muli %mul3A_2, %mul3A_464 : i32
        %mul3A_466 = arith.constant 800 : i32
        %mul3A_467 = arith.muli %add3A_463, %mul3A_466 : i32
        %add3A_468 = arith.addi %mul3A_465, %mul3A_467 : i32
        %dma_wait3A_469 = tpu.memref_slice %arg2[%add3A_468] : memref<819200xi32, #tpu.memory_space<hbm>> -> memref<800xi32, #tpu.memory_space<hbm>>
        %dma_wait3A_470 = tpu.memref_slice %arg2[%add3A_468] : memref<819200xi32, #tpu.memory_space<hbm>> -> memref<800xi32, #tpu.memory_space<hbm>>
        tpu.wait_dma2 semaphore(%arg15 : memref<!tpu.dma_semaphore, #tpu.memory_space<semaphore_mem>>) src(%dma_wait3A_470 : memref<800xi32, #tpu.memory_space<hbm>>) dst(%arg6 : memref<800xi32, #tpu.memory_space<vmem>>)
        %scan3A_471 = arith.constant 0 : i32
        %scan3A_472 = arith.constant 0 : i32
        %scan3A_473 = arith.constant 50 : i32
        %scan3A_474 = arith.addi %scan3A_472, %scan3A_473 : i32
        %scan3A_475 = arith.constant 1 : i32
        scf.for %scan3A_480 = %scan3A_472 to %scan3A_474 step %scan3A_475  : i32 {
          %mul3A_481 = arith.constant 16 : i32
          %mul3A_482 = arith.muli %mul3A_481, %scan3A_480 : i32
          %get3A = arith.index_cast %mul3A_482 : i32 to index
          %get3A_483 = tpu.vector_load %arg6[%get3A] {strides = array<i32>} : memref<800xi32, #tpu.memory_space<vmem>>, vector<16xi32>,
          %get3A_484 = vector.shape_cast %get3A_483 : vector<16xi32> to vector<16xi32>
          %and3A = arith.constant -32768 : i32
          %and3A_485 = vector.broadcast %and3A : i32 to vector<16xi32>
          %and3A_486 = arith.andi %get3A_484, %and3A_485 : vector<16xi32>
          %and3A_487 = arith.constant 8191 : i32
          %and3A_488 = vector.broadcast %and3A_487 : i32 to vector<16xi32>
          %and3A_489 = arith.andi %get3A_484, %and3A_488 : vector<16xi32>
          %shift_left3A = arith.constant 2 : i32
          %shift_left3A_490 = vector.broadcast %shift_left3A : i32 to vector<16xi32>
          %shift_left3A_491 = arith.shli %and3A_489, %shift_left3A_490 : vector<16xi32>
          %or3A = arith.ori %and3A_486, %shift_left3A_491 : vector<16xi32>
          %shift_right_arithmetic3A = arith.constant 13 : i32
          %shift_right_arithmetic3A_492 = vector.broadcast %shift_right_arithmetic3A : i32 to vector<16xi32>
          %shift_right_arithmetic3A_493 = arith.shrsi %get3A_484, %shift_right_arithmetic3A_492 : vector<16xi32>
          %and3A_494 = arith.constant 3 : i32
          %and3A_495 = vector.broadcast %and3A_494 : i32 to vector<16xi32>
          %and3A_496 = arith.andi %shift_right_arithmetic3A_493, %and3A_495 : vector<16xi32>
          %or3A_497 = arith.ori %or3A, %and3A_496 : vector<16xi32>
          %mul3A_498 = arith.constant 16 : i32
          %mul3A_499 = arith.muli %mul3A_498, %scan3A_480 : i32
          %swap3A_500 = arith.index_cast %mul3A_499 : i32 to index
          %swap3A_501 = tpu.vector_load %arg8[%swap3A_500] {strides = array<i32>} : memref<800xi32, #tpu.memory_space<vmem>>, vector<16xi32>,
          %swap3A_502 = vector.shape_cast %swap3A_501 : vector<16xi32> to vector<16xi32>
          %swap3A_503 = vector.shape_cast %or3A_497 : vector<16xi32> to vector<16xi32>
          tpu.vector_store %arg8[%swap3A_500], %swap3A_503 {strides = array<i32>} : memref<800xi32, #tpu.memory_space<vmem>>, vector<16xi32>,
        }
        %scan3A_476 = arith.constant 50 : i32
        %dma_start3A_477 = arith.constant 0 : i32
        %dma_start3A_478 = arith.constant 0 : i32
        %dma_start3A_479 = tpu.memref_slice %arg3[%dma_start3A_477, %dma_start3A_478] : memref<1015808x32xi32, #tpu.memory_space<hbm>> -> memref<1015808x32xi32, #tpu.memory_space<hbm>>
        tpu.enqueue_indirect_dma source(%dma_start3A_479 : memref<1015808x32xi32, #tpu.memory_space<hbm>>) target(%arg10 : memref<800x32xi32, #tpu.memory_space<vmem>>) offsets(%arg8 : memref<800xi32, #tpu.memory_space<vmem>>) semaphore(%arg13 : memref<!tpu.dma_semaphore, #tpu.memory_space<semaphore_mem>>)
      } else {
      }
      %add3A_455 = arith.constant 4 : i32
      %add3A_456 = arith.addi %add3A_262, %add3A_455 : i32
      %lt3A_457 = arith.constant 32 : i32
      %lt3A_458 = arith.cmpi slt, %add3A_456, %lt3A_457 : i32
      %convert_element_type3A_459 = arith.extui %lt3A_458 : i1 to i32
      %cond3A_460 = arith.constant 0 : i32
      %cond3A_461 = arith.cmpi ne, %convert_element_type3A_459, %cond3A_460 : i32
      scf.if %cond3A_461 {
        %add3A_462 = arith.constant 4 : i32
        %add3A_463 = arith.addi %add3A_262, %add3A_462 : i32
        %mul3A_464 = arith.constant 200 : i32
        %mul3A_465 = arith.muli %mul3A_2, %mul3A_464 : i32
        %mul3A_466 = arith.constant 800 : i32
        %mul3A_467 = arith.muli %add3A_463, %mul3A_466 : i32
        %add3A_468 = arith.addi %mul3A_465, %mul3A_467 : i32
        %dma_start3A_469 = tpu.memref_slice %arg2[%add3A_468] : memref<819200xi32, #tpu.memory_space<hbm>> -> memref<800xi32, #tpu.memory_space<hbm>>
        %dma_start3A_470 = tpu.memref_slice %arg2[%add3A_468] : memref<819200xi32, #tpu.memory_space<hbm>> -> memref<800xi32, #tpu.memory_space<hbm>>
        tpu.enqueue_dma source(%dma_start3A_470 : memref<800xi32, #tpu.memory_space<hbm>>) target(%arg6 : memref<800xi32, #tpu.memory_space<vmem>>) target_semaphore(%arg15 : memref<!tpu.dma_semaphore, #tpu.memory_space<semaphore_mem>>)
      } else {
      }
    }
    %scan3A_59 = arith.constant 16 : i32
    "tpu.region"() ({
      %run_scoped3A = tpu.sem_alloc : memref<!tpu.dma_semaphore, #tpu.memory_space<semaphore_mem>>
      %dma_start3A_60 = arith.constant 0 : i32
      %dma_start3A_61 = tpu.memref_slice %arg4[%mul3A_2, %dma_start3A_60] : memref<4096x64xf32, #tpu.memory_space<hbm>> -> memref<128x64xf32, #tpu.memory_space<hbm>>
      %dma_start3A_62 = arith.constant 0 : i32
      %dma_start3A_63 = tpu.memref_slice %arg4[%mul3A_2, %dma_start3A_62] : memref<4096x64xf32, #tpu.memory_space<hbm>> -> memref<128x64xf32, #tpu.memory_space<hbm>>
      tpu.enqueue_dma source(%arg11 : memref<128x64xf32, #tpu.memory_space<vmem>>) target(%dma_start3A_63 : memref<128x64xf32, #tpu.memory_space<hbm>>) target_semaphore(%run_scoped3A : memref<!tpu.dma_semaphore, #tpu.memory_space<semaphore_mem>>)
      %dma_wait3A_64 = arith.constant 0 : i32
      %dma_wait3A_65 = tpu.memref_slice %arg4[%mul3A_2, %dma_wait3A_64] : memref<4096x64xf32, #tpu.memory_space<hbm>> -> memref<128x64xf32, #tpu.memory_space<hbm>>
      %dma_wait3A_66 = arith.constant 0 : i32
      %dma_wait3A_67 = tpu.memref_slice %arg4[%mul3A_2, %dma_wait3A_66] : memref<4096x64xf32, #tpu.memory_space<hbm>> -> memref<128x64xf32, #tpu.memory_space<hbm>>
      tpu.wait_dma2 semaphore(%run_scoped3A : memref<!tpu.dma_semaphore, #tpu.memory_space<semaphore_mem>>) src(%arg11 : memref<128x64xf32, #tpu.memory_space<vmem>>) dst(%dma_wait3A_67 : memref<128x64xf32, #tpu.memory_space<hbm>>)
      tpu.yield
    }) : () -> ()
    return
  }
}

module attributes {stable_mosaic.version = 14 : i64} {
  func.func @body(%arg0: i32, %arg1: memref<64x32768xf32, #tpu.memory_space<vmem>>, %arg2: memref<8192x128xi32, #tpu.memory_space<vmem>>) attributes {dimension_semantics = [#tpu.dimension_semantics<arbitrary>], iteration_bounds = array<i64: 31>, scalar_prefetch = 0 : i64, scratch_operands = 0 : i64, tpu.core_type = #tpu.core_type<tc>, window_params = [{transform_indices = @transform_0, window_bounds = array<i64: 64, 32768>}, {transform_indices = @transform_1, window_bounds = array<i64: 8192, 128>}]} {
    %get3A = arith.constant 0 : index
    %get3A_0 = arith.constant 0 : index
    %get3A_1 = vector.load %arg1[%get3A, %get3A_0] : memref<64x32768xf32, #tpu.memory_space<vmem>>, vector<64x32768xf32>
    %bitcast_convert_type3A = tpu.bitcast %get3A_1 : vector<64x32768xf32> -> vector<64x32768xi32>
    %slice3A = vector.extract_strided_slice %bitcast_convert_type3A {offsets = [0, 0], sizes = [32, 32768], strides = [1, 1]} : vector<64x32768xi32> to vector<32x32768xi32>
    %add3A = arith.constant 32768 : i32
    %add3A_2 = vector.broadcast %add3A : i32 to vector<32x32768xi32>
    %add3A_3 = arith.addi %slice3A, %add3A_2 : vector<32x32768xi32>
    %shift_right_logical3A = arith.constant 16 : i32
    %shift_right_logical3A_4 = vector.broadcast %shift_right_logical3A : i32 to vector<32x32768xi32>
    %shift_right_logical3A_5 = arith.shrui %add3A_3, %shift_right_logical3A_4 : vector<32x32768xi32>
    %slice3A_6 = vector.extract_strided_slice %bitcast_convert_type3A {offsets = [32, 0], sizes = [32, 32768], strides = [1, 1]} : vector<64x32768xi32> to vector<32x32768xi32>
    %add3A_7 = arith.constant 32768 : i32
    %add3A_8 = vector.broadcast %add3A_7 : i32 to vector<32x32768xi32>
    %add3A_9 = arith.addi %slice3A_6, %add3A_8 : vector<32x32768xi32>
    %and3A = arith.constant -65536 : i32
    %and3A_10 = vector.broadcast %and3A : i32 to vector<32x32768xi32>
    %and3A_11 = arith.andi %add3A_9, %and3A_10 : vector<32x32768xi32>
    %or3A = arith.ori %shift_right_logical3A_5, %and3A_11 : vector<32x32768xi32>
    %slice3A_12 = vector.extract_strided_slice %or3A {offsets = [0, 0], sizes = [32, 8192], strides = [1, 1]} : vector<32x32768xi32> to vector<32x8192xi32>
    %slice3A_13 = vector.extract_strided_slice %or3A {offsets = [0, 8192], sizes = [32, 8192], strides = [1, 1]} : vector<32x32768xi32> to vector<32x8192xi32>
    %slice3A_14 = vector.extract_strided_slice %or3A {offsets = [0, 16384], sizes = [32, 8192], strides = [1, 1]} : vector<32x32768xi32> to vector<32x8192xi32>
    %slice3A_15 = vector.extract_strided_slice %or3A {offsets = [0, 24576], sizes = [32, 8192], strides = [1, 1]} : vector<32x32768xi32> to vector<32x8192xi32>
    %concatenate3A = tpu.concatenate %slice3A_12, %slice3A_13, %slice3A_14, %slice3A_15 in 0 : vector<32x8192xi32>, vector<32x8192xi32>, vector<32x8192xi32>, vector<32x8192xi32> -> vector<128x8192xi32>
    %transpose3A = tpu.transpose %concatenate3A, [1, 0] : vector<128x8192xi32> -> vector<8192x128xi32>
    %bitcast_convert_type3A_16 = tpu.bitcast %transpose3A : vector<8192x128xi32> -> vector<8192x128xi32>
    %swap3A = arith.constant 0 : index
    %swap3A_17 = arith.constant 0 : index
    %swap3A_18 = vector.load %arg2[%swap3A, %swap3A_17] : memref<8192x128xi32, #tpu.memory_space<vmem>>, vector<8192x128xi32>
    tpu.vector_store %arg2[%swap3A, %swap3A_17], %bitcast_convert_type3A_16 {strides = array<i32>} : memref<8192x128xi32, #tpu.memory_space<vmem>>, vector<8192x128xi32>,
    return
  }
  func.func @transform_0(%arg0: i32) -> (i32, i32) {
    %c0_i32 = arith.constant 0 : i32
    %c0_i32_0 = arith.constant 0 : i32
    return %c0_i32, %arg0 : i32, i32
  }
  func.func @transform_1(%arg0: i32) -> (i32, i32) {
    %c0_i32 = arith.constant 0 : i32
    %c0_i32_0 = arith.constant 0 : i32
    return %arg0, %c0_i32 : i32, i32
  }
}

module attributes {stable_mosaic.version = 14 : i64} {
  func.func @body(%arg0: i32, %arg1: memref<1000x64xf32, #tpu.memory_space<vmem>>, %arg2: memref<512x64xf32, #tpu.memory_space<vmem>>, %arg3: memref<1000x1xf32, #tpu.memory_space<vmem>>, %arg4: memref<1000x512xf32, #tpu.memory_space<vmem>>) attributes {dimension_semantics = [#tpu.dimension_semantics<arbitrary>], iteration_bounds = array<i64: 8>, scalar_prefetch = 0 : i64, scratch_operands = 0 : i64, tpu.core_type = #tpu.core_type<tc>, window_params = [{pipeline_mode = #tpu.pipeline_mode<synchronous>, transform_indices = @transform_0, window_bounds = array<i64: 1000, 64>}, {transform_indices = @transform_1, window_bounds = array<i64: 512, 64>}, {pipeline_mode = #tpu.pipeline_mode<synchronous>, transform_indices = @transform_2, window_bounds = array<i64: 1000, 1>}, {transform_indices = @transform_3, window_bounds = array<i64: 1000, 512>}]} {
    %get3A = arith.constant 0 : index
    %get3A_0 = arith.constant 0 : index
    %get3A_1 = vector.load %arg2[%get3A, %get3A_0] : memref<512x64xf32, #tpu.memory_space<vmem>>, vector<512x64xf32>
    %mul3A = arith.constant 5.000000e-03 : f32
    %mul3A_2 = vector.broadcast %mul3A : f32 to vector<512x64xf32>
    %mul3A_3 = arith.mulf %get3A_1, %mul3A_2 : vector<512x64xf32>
    %get3A_4 = arith.constant 0 : index
    %get3A_5 = arith.constant 0 : index
    %get3A_6 = vector.load %arg1[%get3A_4, %get3A_5] : memref<1000x64xf32, #tpu.memory_space<vmem>>, vector<1000x64xf32>
    %dot_general3A = arith.constant dense<0.000000e+00> : vector<1000x512xf32>
    %dot_general3A_7 = tpu.matmul %get3A_6, %mul3A_3, %dot_general3A {dimension_numbers = #tpu.dot_dimension_numbers<[1], [1], [0], [0], [0, 0, 1, 0], [], []>, transpose_lhs_hint = false} : vector<1000x64xf32>, vector<512x64xf32>, vector<1000x512xf32> -> vector<1000x512xf32>
    %get3A_8 = arith.constant 0 : index
    %get3A_9 = arith.constant 0 : index
    %get3A_10 = vector.load %arg3[%get3A_8, %get3A_9] : memref<1000x1xf32, #tpu.memory_space<vmem>>, vector<1000x1xf32>
    %add3A = vector.broadcast %get3A_10 : vector<1000x1xf32> to vector<1000x512xf32>
    %add3A_11 = arith.addf %dot_general3A_7, %add3A : vector<1000x512xf32>
    %swap3A = arith.constant 0 : index
    %swap3A_12 = arith.constant 0 : index
    %swap3A_13 = vector.load %arg4[%swap3A, %swap3A_12] : memref<1000x512xf32, #tpu.memory_space<vmem>>, vector<1000x512xf32>
    tpu.vector_store %arg4[%swap3A, %swap3A_12], %add3A_11 {strides = array<i32>} : memref<1000x512xf32, #tpu.memory_space<vmem>>, vector<1000x512xf32>,
    return
  }
  func.func @transform_0(%arg0: i32) -> (i32, i32) {
    %c0_i32 = arith.constant 0 : i32
    %c0_i32_0 = arith.constant 0 : i32
    %c0_i32_1 = arith.constant 0 : i32
    return %c0_i32, %c0_i32_0 : i32, i32
  }
  func.func @transform_1(%arg0: i32) -> (i32, i32) {
    %c0_i32 = arith.constant 0 : i32
    %c0_i32_0 = arith.constant 0 : i32
    return %arg0, %c0_i32 : i32, i32
  }
  func.func @transform_2(%arg0: i32) -> (i32, i32) {
    %c0_i32 = arith.constant 0 : i32
    %c0_i32_0 = arith.constant 0 : i32
    %c0_i32_1 = arith.constant 0 : i32
    return %c0_i32, %c0_i32_0 : i32, i32
  }
  func.func @transform_3(%arg0: i32) -> (i32, i32) {
    %c0_i32 = arith.constant 0 : i32
    %c0_i32_0 = arith.constant 0 : i32
    return %c0_i32, %arg0 : i32, i32
  }
}

</mosaic_0001>

<sc_bundles>
// kernel: kernel.5.cloned.1.call-start
scs
__scs_entry_jumppad:
0x0: {  	(pc) =	sbr.rel $0x88, $3  }
0x1: {  	(tag) =	ssettag $0x0;
	lr =	simm.s32 $0x1  }
0x2: {  	[smem:$0x3F9D] =	sst lr;
	_ =	strace $0xD0000000  }
0x3: {  	_ = 	snop  }
0x4: {  	_ = 	snop  }
0x5: {  	_ = 	snop  }
0x6: {  	_ = 	snop  }
0x7: {  	_ = 	snop  }
__scs_overlays_trampoline_lowered:
0x8: {  	[smem:$0x3FAC] =	sst s0  }
0x9: {  	[smem:$0x3FAD] =	sst s1  }
0xa: {  	[smem:$0x3FAE] =	sst s2  }
0xb: {  	[smem:$0x3FAF] =	sst s3  }
0xc: {  	[smem:$0x3FB0] =	sst s4  }
0xd: {  	[smem:$0x3FB1] =	sst s5  }
0xe: {  	[smem:$0x3FB2] =	sst s6  }
0xf: {  	[smem:$0x3FB3] =	sst s7  }
0x10: {  	[smem:$0x3FB4] =	sst s8  }
0x11: {  	[smem:$0x3FB5] =	sst s9;
	s0 =	simm.s32 @!p0 $0x0  }
0x12: {  	s1 =	sld [smem:$0x3F9B];
	s0 =	simm.s32 @p0 $0x1  }
0x13: {  	[smem:$0x3FB6] =	sst s0;
	s0 =	simm.s32 @!p1 $0x0  }
0x14: {  	s2 =	sld [smem:$0x3F9A];
	s0 =	simm.s32 @p1 $0x1  }
0x15: {  	[smem:$0x3FB7] =	sst s0;
	s0 =	simm.s32 @!p2 $0x0  }
0x16: {  	s3 =	sld [smem:$0x3FDB];
	s0 =	simm.s32 @p2 $0x1  }
0x17: {  	s4 =	simm.s32 $0x1BF5;
	[smem:$0x3FB9] =	sst s0  }
0x18: {  	s0 =	sld [smem:$0x3F9C];
	_ =	swait.ge [sflag:s4], $0x0  }
0x19: {  	s7 =	sld [smem:$0x3F9D]  }
0x1a: {  	s8 =	sadd.s32 $0xFFFFE003, lr  }
0x1b: {  	s9 =	sadd.s32 $0xFFFFFEF7, lr;
	s5 =	simm.s32 $0xFFFFFFFF;
	p2 =	slt.u32 s8, $0xFFFFF086  }
0x1c: {  	p1 =	slt.u32 s9, $0xF7A;
	s5 =	simm.s32 @!p2 $0x0  }
0x1d: {  	s5 =	simm.s32 @p1 $0x1;
	p0 =	seq.s32 s7, s2  }
0x1e: {  	s7 =	smul.u32 @!p0 $0xF7A, s2;
	p2 =	seq.s32 @!p0 s5, $0x0  }
0x1f: {  	s9 =	smul.u32 $0xF7A, s1;
	s8 =	simm.s32 @!p0 $0x1BF5;
	p2 =	por !p2, p0  }
0x20: {  	[sflag:s8] =	ssyncset.s32 @!p0 $0xFFFFF086;
	s6 =	sadd.s32 @!p0 s3, s7;
	s7 =	simm.s32 @!p0 $0x108  }
0x21: {  	s3 =	sadd.s32 s3, s9;
	s6 =	sadd.s32 @!p0 $0x88, s6;
	s7 =	simm.s32 @p2 $0x1082  }
0x22: {  	[simem:s7], [sflag:s8] =	dma.local @!p0 [hbm:s6], $0xF7A  }
0x23: {  	s9 =	sor.u32 $0xD0000000, s2;
	s6 =	simm.s32 $0x108;
	_ =	swait.ge @!p0 [sflag:s8], $0x0  }
0x24: {  	s3 =	sadd.s32 $0x88, s3;
	s6 =	simm.s32 @!p1 $0x1082;
	[sflag:s4] =	ssyncset.s32 $0xFFFFF086  }
0x25: {  	[simem:s6], [sflag:s4] =	dma.local [hbm:s3], $0xF7A  }
0x26: {  	[smem:$0x3F9D] =	sst s1;
	(tag) =	ssettag s2;
	_ =	strace s9  }
0x27: {  	s1 =	sld [smem:$0x3FAD]  }
0x28: {  	s2 =	sld [smem:$0x3FAE]  }
0x29: {  	s4 =	sld [smem:$0x3FB0]  }
0x2a: {  	p0 =	seq.s32 s5, $0x0;
	s5 =	sld [smem:$0x3FB1]  }
0x2b: {  	s6 =	sld [smem:$0x3FB2]  }
0x2c: {  	s7 =	sld [smem:$0x3FB3]  }
0x2d: {  	s3 =	simm.s32 $0x108;
	s8 =	sld [smem:$0x3FB4]  }
0x2e: {  	s3 =	simm.s32 @!p0 $0x1082;
	s9 =	sld [smem:$0x3FB5]  }
0x2f: {  	lr =	sadd.s32 s0, s3;
	s0 =	sld [smem:$0x3FAC]  }
0x30: {  	s3 =	sld [smem:$0x3FAF]  }
0x31: {  	[smem:$0x3FB8] =	sst s10  }
0x32: {  	s10 =	sld [smem:$0x3FB6];
	_ =	sdelay $0x3  }
0x33: {  	p0 =	seq.s32 s10, $0x1;
	s10 =	sld [smem:$0x3FB8];
	_ =	sdelay $0x3  }
0x34: {  	[smem:$0x3FB8] =	sst s10  }
0x35: {  	s10 =	sld [smem:$0x3FB7];
	_ =	sdelay $0x3  }
0x36: {  	p1 =	seq.s32 s10, $0x1;
	s10 =	sld [smem:$0x3FB8];
	_ =	sdelay $0x3  }
0x37: {  	[smem:$0x3FB8] =	sst s10  }
0x38: {  	s10 =	sld [smem:$0x3FB9]  }
0x39: {  	_ = 	snop;
	(pc) =	sbr.ind lr, $3  }
0x3a: {  	_ = 	snop  }
0x3b: {  	_ = 	snop  }
0x3c: {  	p2 =	seq.s32 s10, $0x1;
	s10 =	sld [smem:$0x3FB8]  }
0x3d: {  	_ =	shalt  }
0x3e: {  	_ =	shalt  }
0x3f: {  	_ =	shalt  }
0x40: {  	_ =	shalt  }
0x41: {  	_ =	shalt  }
0x42: {  	_ =	shalt  }
0x43: {  	_ =	shalt  }
0x44: {  	_ =	shalt  }
0x45: {  	_ =	shalt  }
0x46: {  	_ =	shalt  }
0x47: {  	_ =	shalt  }
0x48: {  	_ =	shalt  }
0x49: {  	_ =	shalt  }
0x4a: {  	_ =	shalt  }
0x4b: {  	_ =	shalt  }
0x4c: {  	_ =	shalt  }
0x4d: {  	_ =	shalt  }
0x4e: {  	_ =	shalt  }
0x4f: {  	_ =	shalt  }
0x50: {  	_ =	shalt  }
0x51: {  	_ =	shalt  }
0x52: {  	_ =	shalt  }
0x53: {  	_ =	shalt  }
0x54: {  	_ =	shalt  }
0x55: {  	_ =	shalt  }
0x56: {  	_ =	shalt  }
0x57: {  	_ =	shalt  }
0x58: {  	_ =	shalt  }
0x59: {  	_ =	shalt  }
0x5a: {  	_ =	shalt  }
0x5b: {  	_ =	shalt  }
0x5c: {  	_ =	shalt  }
0x5d: {  	_ =	shalt  }
0x5e: {  	_ =	shalt  }
0x5f: {  	_ =	shalt  }
0x60: {  	_ =	shalt  }
0x61: {  	_ =	shalt  }
0x62: {  	_ =	shalt  }
0x63: {  	_ =	shalt  }
0x64: {  	_ =	shalt  }
0x65: {  	_ =	shalt  }
0x66: {  	_ =	shalt  }
0x67: {  	_ =	shalt  }
0x68: {  	_ =	shalt  }
0x69: {  	_ =	shalt  }
0x6a: {  	_ =	shalt  }
0x6b: {  	_ =	shalt  }
0x6c: {  	_ =	shalt  }
0x6d: {  	_ =	shalt  }
0x6e: {  	_ =	shalt  }
0x6f: {  	_ =	shalt  }
0x70: {  	_ =	shalt  }
0x71: {  	_ =	shalt  }
0x72: {  	_ =	shalt  }
0x73: {  	_ =	shalt  }
0x74: {  	_ =	shalt  }
0x75: {  	_ =	shalt  }
0x76: {  	_ =	shalt  }
0x77: {  	_ =	shalt  }
0x78: {  	_ =	shalt  }
0x79: {  	_ =	shalt  }
0x7a: {  	_ =	shalt  }
0x7b: {  	_ =	shalt  }
0x7c: {  	_ =	shalt  }
0x7d: {  	_ =	shalt  }
0x7e: {  	_ =	shalt  }
0x7f: {  	_ =	shalt  }
0x80: {  	_ =	shalt  }
0x81: {  	_ =	shalt  }
0x82: {  	_ =	shalt  }
0x83: {  	_ =	shalt  }
0x84: {  	_ =	shalt  }
0x85: {  	_ =	shalt  }
0x86: {  	_ =	shalt  }
0x87: {  	_ =	shalt  }
.Lfunc_end0:
.L_simem_size_0:
called_computation_lowered:
.L_overlay_start_0:
0x88: {  	s2 =	sld [smem:$0x3FD9]  }
0x89: {  	s3 =	sld [smem:$0x3FFE];
	_ =	sdelay $0x1  }
0x8a: {  	s1 =	srdreg.scid  }
0x8b: {  	s0 =	sand.u32 $0x1, s1  }
0x8c: {  	s17 =	sshll.u32 s0, $0xA;
	s2 =	sadd.s32 s3, s2  }
0x8d: {  	s2 =	sadd.s32 s2, s17  }
0x8e: {  	[smem:$0x3FC4] =	sst s2  }
0x8f: {  	_ = 	snop  }
0x90: {  	s2 =	sld [smem:$0x3FD0];
	(tm) =	ssettm $0x1  }
0x91: {  	s18 =	sld [smem:$0x3FFB];
	_ =	sdelay $0x3  }
0x92: {  	_ =	strace s18  }
0x93: {  	s3 =	sld [smem:$0x3FFC];
	_ =	sdelay $0x3  }
0x94: {  	_ =	strace s3  }
0x95: {  	s3 =	sld [smem:$0x3FFD];
	_ =	sdelay $0x3  }
0x96: {  	_ =	strace s3  }
0x97: {  	_ =	strace $0x8FFFFFFF  }
0x98: {  	s19 =	sld [smem:$0x3FDB];
	_ =	sdelay $0x1  }
0x99: {  	s4 =	simm.s32 $_scs_section_size  }
0x9a: {  	s5 =	simm.s32 $_size__tile_overlayer_lowered;
	s6 =	simm.s32 $_tile_overlayer_lowered  }
0x9b: {  	s22 =	simm.s32 $0x1BFF;
	s21 =	sshll.u32 s6, $0x1;
	s3 =	sadd.s32 s4, s19  }
0x9c: {  	s7 =	simm.s32 $0x0;
	s20 =	sshll.u32 s5, $0x1;
	s5 =	sadd.s32 s21, s3  }
0x9d: {  	[timem:s7], [sflag:s22] =	dma.local [hbm:s5], s20  }
0x9e: {  	_ =	swait.ge [sflag:s22], s20  }
0x9f: {  	s4 =	ssub.s32 $0x0, s20;
	[sflag:s22] =	ssyncset.done $0x0  }
0xa0: {  	[sflag:s22] =	ssyncadd.s32 s4;
	_ =	sdelay $0x1  }
0xa1: {  	s23 =	simm.s32 $0x1B8B  }
0xa2: {  	_ =	swait.ge [sflag:s23], $0x1  }
0xa3: {  	[sflag:s23] =	ssyncset.done $0x0  }
0xa4: {  	s25 =	simm.s32 $0x1B8E;
	s24 =	sld [smem:$0x3FFE];
	[sflag:s23] =	ssyncadd.s32 $0xFFFFFFFF  }
0xa5: {  	s26 =	simm.s32 $execute0_lowered;
	[smem:$0x3FD2] =	sst s25  }
0xa6: {  	s5 =	sshll.u32 s26, $0x1;
	_ =	strace $0x80000046;
	[dreg:$0x1] =	wrdreg $0xFFFFFFFF  }
0xa7: {  	s28 =	simm.s32 $_size_execute0_lowered;
	s3 =	sadd.s32 s3, s5;
	[dreg:$0x0] =	wrdreg $0x0  }
0xa8: {  	s5 =	sshll.u32 s28, $0x1;
	[dreg:$0x2] =	wrdreg s3  }
0xa9: {  	[dreg:$0x3] =	wrdreg s5  }
0xaa: {  	[dreg:$0x4] =	wrdreg $0xC0  }
0xab: {  	_ =	task [dreg:s7], $0x5FFFF  }
0xac: {  	[dreg:$0x1] =	wrdreg $0xFFFFFFFF  }
0xad: {  	[dreg:$0x0] =	wrdreg $0x60  }
0xae: {  	[dreg:$0x2] =	wrdreg s2  }
0xaf: {  	[dreg:$0x3] =	wrdreg s24  }
0xb0: {  	[dreg:$0x4] =	wrdreg $0x9  }
0xb1: {  	_ =	task.clear_ibuf [dreg:s7], $0x5FFFF;
	_ =	strace $0x90000046  }
0xb2: {  	s29 =	simm.s32 $0x9;
	_ =	strace $0x80000048  }
0xb3: {  	_ =	swait.ge [sflag:s29], $0x1  }
0xb4: {  	[sflag:s29] =	ssyncadd.s32 $0xFFFFFFFF  }
0xb5: {  	_ =	strace $0x90000048  }
0xb6: {  	_ =	sfence  }
0xb7: {  	s30 =	sld [smem:$0x0];
	_ =	sdelay $0x2  }
0xb8: {  	s31 =	sshll.u32 s1, $0xD;
	s1 =	sshrl.u32 s1, $0x2  }
0xb9: {  	s3 =	sand.u32 $0x4000, s31;
	s1 =	sadd.s32 s1, s30  }
0xba: {  	s0 =	sor.u32 s3, s0;
	s1 =	sshll.u32 s1, $0x11  }
0xbb: {  	s0 =	sor.u32 s1, s0  }
0xbc: {  	s0 =	sadd.s32 $0x8F2B, s0  }
0xbd: {  	[sflag:s0] =	ssyncadd.remote.s32 $0x1  }
0xbe: {  	_ =	sfence.sel $0xFFFF  }
0xbf: {  	[dreg:$0x0] =	wrdreg $0xFFFFFFFF;
	(pc) =	sbr.abs _section_cstart, $3  }
0xc0: {  	[dreg:$0x1] =	wrdreg $0xFFFFFFFF  }
0xc1: {  	_ =	task.clear_ibuf [dreg:s7], $0x2FFFF;
	_ =	strace $0x9FFFFFFF  }
0xc2: {  	(tm) =	ssettm $0x7FFFFFFF  }
0xc3: {  	_ =	shalt  }
tec
execute0_lowered:
.L_overlay_start_1:
0x0: {  	(tag) =	ssettag $0x1  }
0x1: {  	s2 =	rddreg [dreg:$0x0];
	s1 =	srdreg.scid  }
0x2: {  	s0 =	stileid.u32;
	s6 =	rddreg [dreg:$0x1]  }
0x3: {  	s3 =	simm.s32 $0x0;
	s13 =	simm.s32 $0x320;
	s14 =	simm.s32 $0x3  }
0x4: {  	s15 =	simm.s32 $0x640;
	s16 =	simm.s32 $0xC80;
	s17 =	simm.s32 $0x4  }
0x5: {  	s18 =	simm.s32 $0x960;
	s19 =	simm.s32 $0x7080;
	s20 =	simm.s32 $0x1  }
0x6: {  	s21 =	simm.s32 $0x2;
	s22 =	simm.s32 $0xD480;
	s23 =	simm.s32 $0x5  }
0x7: {  	s5 =	sand.u32 $0x1, s1;
	s4 =	sshll.u32 s0, $0x1;
	s1 =	rddreg [dreg:$0x2]  }
0x8: {  	s24 =	simm.s32 $0x0;
	[smem:$0x7FF] =	sst s3;
	s7 =	sor.u32 s5, s4  }
0x9: {  	_ =	strace $0x80000047;
	s8 =	ssub.s32 $0x2, s5;
	s10 =	smul.u32 $0x6400, s7  }
.Ltmp0:
0xa: {  	s7 =	sshll.u32 s7, $0xA;
	s9 =	sshrl.u32 s8, $0x1;
	(pc) =	sbr.rel .LBB2_1-.Ltmp0, $4  }
0xb: {  	s4 =	sadd.s32 $0xA00, s6;
	s11 =	sadd.s32 s7, s6;
	s12 =	ssub.s32 s8, s9  }
0xc: {  	s31 =	sshrl.u32 s10, $0x3;
	s9 =	sadd.s32 $0xC80, s10;
	s10 =	sadd.s32 $0xFA0, s10  }
0xd: {  	s11 =	sadd.s32 $0x3E0A00, s11;
	s12 =	smax.u32 s12, $0x1;
	s5 =	sadd.s32 s2, s31  }
0xe: {  	s6 =	sadd.s32 $0x64, s5;
	s7 =	sadd.s32 $0xC8, s5;
	s8 =	sadd.s32 $0x12C, s5  }
.LBB2_19:
0xf: {  	s24 =	sadd.s32 $0x1, s24  }
0x10: {  	p0 =	sne.s32 s24, s12  }
.Ltmp1:
0x11: {  	_ = 	snop;
	(pc) =	sbr.rel @!p0 .LBB2_20-.Ltmp1, $4  }
0x12: {  	[hbm4b:s11+s3] =	stream.linear.scatter [tilespmem:s22], [sflag:$0x5], $0x2000, $0x38;
	[tilespmem:$0xF480] =	vst v63  }
0x13: {  	_ =	swait.ge [sflag:s23], $0x2000  }
0x14: {  	[sflag:s23] =	ssyncset.done $0x0  }
0x15: {  	[sflag:s23] =	ssyncadd.s32 $0xFFFFE000  }
.LBB2_1:
0x16: {  	[tilespmem:s3], [sflag:$0x3] =	stream.linear.gather [hbm4b:s5+s3], $0x320, $0x38;
	[tilespmem:$0xF480] =	vst v63  }
0x17: {  	_ = 	snop  }
0x18: {  	[tilespmem:s13], [sflag:$0x4] =	stream.linear.gather [hbm4b:s6+s3], $0x320, $0x38;
	[tilespmem:$0xF480] =	vst v63  }
0x19: {  	_ =	swait.ge [sflag:s14], $0x320  }
0x1a: {  	[sflag:s14] =	ssyncset.done $0x0  }
0x1b: {  	s25 =	simm.s32 $0x0;
	[sflag:s14] =	ssyncadd.s32 $0xFFFFFCE0  }
0x1c: {  	v0 =	vld [tilespmem:s25+$0x0];
	_ =	sdelay $0x2  }
0x1d: {  	s26 =	simm.s32 $0x40  }
.LBB2_2:
0x1e: {  	p0 =	sne.s32 s26, $0xC40  }
.Ltmp2:
0x1f: {  	s28 =	sshra.s32 s26, $0x2;
	s26 =	sadd.s32 $0x40, s26;
	v1 =	vshll.u32 v0, $0x2;
	(pc) =	sbr.rel @p0 .LBB2_2-.Ltmp2, $4  }
0x20: {  	v2 =	vand.u32 $0xFFFF8000, v0;
	v3 =	vshrl.u32 v0, $0xD;
	v1 =	vand.u32 $0x7FFC, v1;
	v0 =	vld [tilespmem:s28+$0x0]  }
0x21: {  	v1 =	vor.u32 v2, v1;
	v2 =	vand.u32 $0x3, v3  }
0x22: {  	v1 =	vor.u32 v2, v1  }
0x23: {  	[tilespmem:s25+$0x640] =	vst v1;
	s25 =	smov.u32 s28  }
0x24: {  	_ = 	snop  }
0x25: {  	v1 =	vshll.u32 v0, $0x2  }
0x26: {  	v2 =	vand.u32 $0xFFFF8000, v0;
	v0 =	vshrl.u32 v0, $0xD;
	v1 =	vand.u32 $0x7FFC, v1  }
0x27: {  	v0 =	vand.u32 $0x3, v0;
	v1 =	vor.u32 v2, v1  }
0x28: {  	v0 =	vor.u32 v0, v1  }
0x29: {  	[tilespmem:s25+$0x640] =	vst v0  }
0x2a: {  	[tilespmem:s16], [sflag:$0x1] =	stream.indirect.gather [hbm4b:s4+s13], $0x20, s15, s13, $0xb8;
	[tilespmem:$0xF480] =	vst v63  }
0x2b: {  	s31 =	simm.s32 $0x0  }
0x2c: {  	[tilespmem:s31], [sflag:$0x3] =	stream.linear.gather [hbm4b:s7+s31], $0x320, $0x38;
	[tilespmem:$0xF480] =	vst v63  }
0x2d: {  	_ =	swait.ge [sflag:s17], $0x320  }
0x2e: {  	[sflag:s17] =	ssyncset.done $0x0  }
0x2f: {  	s25 =	simm.s32 $0x0;
	[sflag:s17] =	ssyncadd.s32 $0xFFFFFCE0  }
0x30: {  	v0 =	vld [tilespmem:s25+$0x320];
	_ =	sdelay $0x2  }
0x31: {  	s26 =	simm.s32 $0x40  }
.LBB2_4:
0x32: {  	p0 =	sne.s32 s26, $0xC40  }
.Ltmp3:
0x33: {  	s28 =	sshra.s32 s26, $0x2;
	s26 =	sadd.s32 $0x40, s26;
	v1 =	vshll.u32 v0, $0x2;
	(pc) =	sbr.rel @p0 .LBB2_4-.Ltmp3, $4  }
0x34: {  	v2 =	vand.u32 $0xFFFF8000, v0;
	v3 =	vshrl.u32 v0, $0xD;
	v1 =	vand.u32 $0x7FFC, v1;
	v0 =	vld [tilespmem:s28+$0x320]  }
0x35: {  	v1 =	vor.u32 v2, v1;
	v2 =	vand.u32 $0x3, v3  }
0x36: {  	v1 =	vor.u32 v2, v1  }
0x37: {  	[tilespmem:s25+$0x960] =	vst v1;
	s25 =	smov.u32 s28  }
0x38: {  	_ = 	snop  }
0x39: {  	v1 =	vshll.u32 v0, $0x2  }
0x3a: {  	v2 =	vand.u32 $0xFFFF8000, v0;
	v63 =	vshrl.u32 v0, $0xD;
	v1 =	vand.u32 $0x7FFC, v1  }
0x3b: {  	v0 =	vand.u32 $0x3, v63;
	v1 =	vor.u32 v2, v1  }
.Ltmp4:
0x3c: {  	v0 =	vor.u32 v0, v1;
	(pc) =	sbr.rel .LBB2_6-.Ltmp4, $4  }
0x3d: {  	[tilespmem:s25+$0x960] =	vst v0  }
0x3e: {  	[tilespmem:s19], [sflag:$0x2] =	stream.indirect.gather [hbm4b:s4+s13], $0x20, s18, s13, $0xb8;
	[tilespmem:$0xF480] =	vst v63  }
0x3f: {  	s25 =	simm.s32 $0x0  }
0x40: {  	[tilespmem:s13], [sflag:$0x4] =	stream.linear.gather [hbm4b:s8+s25], $0x320, $0x38;
	[tilespmem:$0xF480] =	vst v63  }
.LBB2_18:
0x41: {  	s26 =	smul.u32 @p1 $0x640, s25;
	s25 =	sadd.s32 $0x1, s25  }
0x42: {  	p0 =	sne.s32 s25, $0x10  }
.Ltmp5:
0x43: {  	_ = 	snop;
	(pc) =	sbr.rel @!p0 .LBB2_19-.Ltmp5, $4  }
0x44: {  	s26 =	sadd.s32 @p1 s26, s10  }
0x45: {  	s26 =	sshrl.u32 @p1 s26, $0x3  }
0x46: {  	s28 =	simm.s32 @p1 $0x0;
	s29 =	simm.s32 @p1 $0x320;
	s26 =	sadd.s32 @p1 s2, s26  }
0x47: {  	[tilespmem:s29], [sflag:$0x4] =	stream.linear.gather @p1 [hbm4b:s26+s28], $0x320, $0x38;
	[tilespmem:$0xF480] =	vst v63  }
.LBB2_6:
0x48: {  	_ =	swait.ge [sflag:s20], $0x6400  }
0x49: {  	[sflag:s20] =	ssyncset.done $0x0  }
0x4a: {  	s26 =	simm.s32 $0x0;
	[sflag:s20] =	ssyncadd.s32 $0xFFFF9C00  }
0x4b: {  	v1 =	vld [tilespmem:s26+$0xC80]  }
0x4c: {  	v2 =	vld [tilespmem:s26+$0xC90]  }
0x4d: {  	v3 =	vld [tilespmem:s26+$0xCA0]  }
0x4e: {  	v4 =	vld [tilespmem:s26+$0xCB0]  }
0x4f: {  	v10 =	vld [tilespmem:s26+$0x2590]  }
0x50: {  	v14 =	vld [tilespmem:s26+$0x25B0]  }
0x51: {  	v0 =	vimm.f32 $0.0e+00;
	v12 =	vimm.f32 $0.0e+00;
	v13 =	vimm.f32 $0.0e+00;
	v9 =	vld [tilespmem:s26+$0x2580]  }
0x52: {  	v5 =	vshll.u32 v1, $0x10;
	v6 =	vshll.u32 v2, $0x10;
	v1 =	vadd.f32 v1, v0  }
0x53: {  	v11 =	vld [tilespmem:s26+$0x25A0];
	v7 =	vshll.u32 v3, $0x10;
	v2 =	vadd.f32 v2, v0;
	v5 =	vadd.f32 v5, v0  }
0x54: {  	v8 =	vshll.u32 v4, $0x10;
	v21 =	vadd.f32 v10, v0;
	v6 =	vadd.f32 v6, v0  }
0x55: {  	v22 =	vshll.u32 v14, $0x10;
	v5 =	vadd.f32 v7, v5;
	v7 =	vadd.f32 v3, v1  }
0x56: {  	v18 =	vld [tilespmem:s26+$0x3E80];
	v8 =	vadd.f32 v8, v6;
	v1 =	vshll.u32 v9, $0x10;
	v6 =	vadd.f32 v4, v2  }
0x57: {  	v19 =	vld [tilespmem:s26+$0x3E90];
	v2 =	vshll.u32 v10, $0x10;
	v3 =	vadd.f32 v9, v0;
	v4 =	vimm.f32 $0.0e+00  }
0x58: {  	v15 =	vld [tilespmem:s26+$0x3EA0];
	v1 =	vadd.f32 v1, v0;
	v20 =	vadd.f32 v2, v0;
	v2 =	vshll.u32 v11, $0x10  }
0x59: {  	v16 =	vld [tilespmem:s26+$0x3EB0];
	v9 =	vadd.f32 v11, v3;
	v11 =	vimm.f32 $0.0e+00;
	v3 =	vimm.f32 $0.0e+00  }
0x5a: {  	s28 =	simm.s32 $0x100;
	v17 =	vld [tilespmem:s26+$0x5780];
	v10 =	vadd.f32 v2, v1;
	v2 =	vimm.f32 $0.0e+00;
	v1 =	vimm.f32 $0.0e+00  }
.LBB2_7:
0x5b: {  	p0 =	sne.s32 s28, $0x6300;
	v20 =	vadd.f32 v22, v20;
	v21 =	vadd.f32 v14, v21;
	v14 =	vshll.u32 v18, $0x10;
	v22 =	vld [tilespmem:s26+$0x5790]  }
0x5c: {  	v12 =	vadd.f32 v18, v12;
	v0 =	vadd.f32 v14, v0;
	v14 =	vshll.u32 v19, $0x10;
	v18 =	vld [tilespmem:s26+$0x57A0]  }
0x5d: {  	v11 =	vadd.f32 v19, v11;
	v13 =	vadd.f32 v14, v13;
	v14 =	vshll.u32 v15, $0x10;
	v19 =	vld [tilespmem:s26+$0x57B0];
	s26 =	sshra.s32 s28, $0x2  }
0x5e: {  	v12 =	vadd.f32 v15, v12;
	v23 =	vld [tilespmem:s26+$0xC80];
	v0 =	vadd.f32 v14, v0;
	v14 =	vshll.u32 v16, $0x10  }
0x5f: {  	v11 =	vadd.f32 v16, v11;
	v15 =	vld [tilespmem:s26+$0xC90];
	v13 =	vadd.f32 v14, v13;
	v14 =	vshll.u32 v17, $0x10  }
0x60: {  	v4 =	vadd.f32 v17, v4;
	v16 =	vld [tilespmem:s26+$0xCA0];
	v3 =	vadd.f32 v14, v3;
	v14 =	vshll.u32 v22, $0x10  }
0x61: {  	v1 =	vadd.f32 v22, v1;
	v17 =	vld [tilespmem:s26+$0xCB0];
	v2 =	vadd.f32 v14, v2;
	v14 =	vshll.u32 v18, $0x10  }
0x62: {  	v4 =	vadd.f32 v18, v4;
	v22 =	vld [tilespmem:s26+$0x2580];
	v3 =	vadd.f32 v14, v3;
	v14 =	vshll.u32 v19, $0x10  }
0x63: {  	v1 =	vadd.f32 v19, v1;
	v18 =	vshll.u32 v23, $0x10;
	v24 =	vld [tilespmem:s26+$0x2590];
	v2 =	vadd.f32 v14, v2  }
0x64: {  	v7 =	vadd.f32 v23, v7;
	v5 =	vadd.f32 v18, v5;
	v14 =	vshll.u32 v15, $0x10;
	v23 =	vld [tilespmem:s26+$0x25A0]  }
0x65: {  	v6 =	vadd.f32 v15, v6;
	v8 =	vadd.f32 v14, v8;
	v15 =	vshll.u32 v16, $0x10;
	v14 =	vld [tilespmem:s26+$0x25B0]  }
.Ltmp6:
0x66: {  	v7 =	vadd.f32 v16, v7;
	v5 =	vadd.f32 v15, v5;
	v15 =	vshll.u32 v17, $0x10;
	v18 =	vld [tilespmem:s26+$0x3E80];
	(pc) =	sbr.rel @p0 .LBB2_7-.Ltmp6, $4  }
0x67: {  	v6 =	vadd.f32 v17, v6;
	v8 =	vadd.f32 v15, v8;
	v15 =	vshll.u32 v22, $0x10;
	v19 =	vld [tilespmem:s26+$0x3E90]  }
0x68: {  	v9 =	vadd.f32 v22, v9;
	v10 =	vadd.f32 v15, v10;
	v16 =	vshll.u32 v24, $0x10;
	v15 =	vld [tilespmem:s26+$0x3EA0]  }
0x69: {  	v21 =	vadd.f32 v24, v21;
	v20 =	vadd.f32 v16, v20;
	v17 =	vshll.u32 v23, $0x10;
	v16 =	vld [tilespmem:s26+$0x3EB0]  }
0x6a: {  	s28 =	sadd.s32 $0x100, s28;
	v9 =	vadd.f32 v23, v9;
	v10 =	vadd.f32 v17, v10;
	v22 =	vshll.u32 v14, $0x10;
	v17 =	vld [tilespmem:s26+$0x5780]  }
0x6b: {  	v23 =	vld [tilespmem:s26+$0x5790]  }
0x6c: {  	v24 =	vld [tilespmem:s26+$0x57A0];
	s28 =	sshll.u32 s25, $0xB  }
0x6d: {  	v25 =	vld [tilespmem:s26+$0x57B0];
	s26 =	sshra.s32 s28, $0x2  }
0x6e: {  	[tilespmem:s26+$0xD480] =	vst v5  }
0x6f: {  	[tilespmem:s26+$0xD490] =	vst v7  }
0x70: {  	[tilespmem:s26+$0xD4A0] =	vst v8  }
0x71: {  	[tilespmem:s26+$0xD4B0] =	vst v6  }
0x72: {  	v49 =	vadd.f32 v22, v20;
	v50 =	vshll.u32 v18, $0x10;
	v53 =	vadd.f32 v18, v12;
	[tilespmem:s26+$0xD4C0] =	vst v10  }
0x73: {  	v51 =	vadd.f32 v14, v21;
	v0 =	vadd.f32 v50, v0;
	v52 =	vshll.u32 v19, $0x10;
	[tilespmem:s26+$0xD4D0] =	vst v9  }
0x74: {  	v55 =	vadd.f32 v19, v11;
	v54 =	vshll.u32 v15, $0x10;
	[tilespmem:s26+$0xD4E0] =	vst v49;
	v57 =	vadd.f32 v15, v53  }
0x75: {  	v7 =	vadd.f32 v52, v13;
	[tilespmem:s26+$0xD4F0] =	vst v51;
	v0 =	vadd.f32 v54, v0;
	v56 =	vshll.u32 v16, $0x10  }
0x76: {  	v59 =	vadd.f32 v16, v55;
	v58 =	vshll.u32 v17, $0x10;
	v60 =	vadd.f32 v17, v4;
	[tilespmem:s26+$0xD510] =	vst v57  }
0x77: {  	v7 =	vadd.f32 v56, v7;
	v3 =	vadd.f32 v58, v3;
	[tilespmem:s26+$0xD500] =	vst v0;
	v61 =	vshll.u32 v23, $0x10  }
0x78: {  	p0 =	seq.s32 s25, $0xF;
	v62 =	vshll.u32 v24, $0x10;
	v1 =	vadd.f32 v23, v1;
	[tilespmem:s26+$0xD530] =	vst v59;
	v0 =	vadd.f32 v24, v60  }
.Ltmp7:
0x79: {  	v2 =	vadd.f32 v61, v2;
	[tilespmem:s26+$0xD520] =	vst v7;
	v3 =	vadd.f32 v62, v3;
	(pc) =	sbr.rel @p0 .LBB2_12-.Ltmp7, $4  }
0x7a: {  	v63 =	vshll.u32 v25, $0x10;
	v1 =	vadd.f32 v25, v1;
	[tilespmem:s26+$0xD550] =	vst v0  }
0x7b: {  	v2 =	vadd.f32 v63, v2;
	[tilespmem:s26+$0xD540] =	vst v3  }
0x7c: {  	[tilespmem:s26+$0xD570] =	vst v1  }
0x7d: {  	p1 =	por $0x0, $0x0;
	[tilespmem:s26+$0xD560] =	vst v2  }
0x7e: {  	_ =	swait.ge [sflag:s14], $0x320  }
0x7f: {  	[sflag:s14] =	ssyncset.done $0x0  }
0x80: {  	s28 =	simm.s32 $0x0;
	[sflag:s14] =	ssyncadd.s32 $0xFFFFFCE0  }
0x81: {  	v0 =	vld [tilespmem:s28+$0x0];
	_ =	sdelay $0x2  }
0x82: {  	s29 =	simm.s32 $0x40  }
.LBB2_10:
0x83: {  	p1 =	sne.s32 s29, $0xC40  }
.Ltmp8:
0x84: {  	s30 =	sshra.s32 s29, $0x2;
	s29 =	sadd.s32 $0x40, s29;
	v1 =	vshll.u32 v0, $0x2;
	(pc) =	sbr.rel @p1 .LBB2_10-.Ltmp8, $4  }
0x85: {  	v2 =	vand.u32 $0xFFFF8000, v0;
	v3 =	vshrl.u32 v0, $0xD;
	v1 =	vand.u32 $0x7FFC, v1;
	v0 =	vld [tilespmem:s30+$0x0]  }
0x86: {  	v1 =	vor.u32 v2, v1;
	v2 =	vand.u32 $0x3, v3  }
0x87: {  	v1 =	vor.u32 v2, v1  }
0x88: {  	[tilespmem:s28+$0x640] =	vst v1;
	s28 =	smov.u32 s30  }
0x89: {  	_ = 	snop  }
0x8a: {  	v1 =	vshll.u32 v0, $0x2  }
0x8b: {  	v2 =	vand.u32 $0xFFFF8000, v0;
	v63 =	vshrl.u32 v0, $0xD;
	v1 =	vand.u32 $0x7FFC, v1  }
0x8c: {  	v0 =	vand.u32 $0x3, v63;
	v1 =	vor.u32 v2, v1  }
0x8d: {  	p2 =	sgt.u32 s25, $0xD;
	v0 =	vor.u32 v0, v1  }
0x8e: {  	[tilespmem:s28+$0x640] =	vst v0;
	s28 =	smul.u32 @!p2 $0x640, s25  }
0x8f: {  	[tilespmem:s16], [sflag:$0x1] =	stream.indirect.gather [hbm4b:s4+s13], $0x20, s15, s13, $0xb8;
	[tilespmem:$0xF480] =	vst v63  }
0x90: {  	s28 =	sadd.s32 @!p2 s28, s9  }
0x91: {  	p1 =	por $0x0, $0x0;
	p3 =	por @!p2 $0x1, $0x1;
	s28 =	sshrl.u32 @!p2 s28, $0x3  }
0x92: {  	s29 =	simm.s32 @!p2 $0x0;
	p1 =	por @!p2 p3, p3;
	s28 =	sadd.s32 @!p2 s2, s28  }
0x93: {  	[tilespmem:s29], [sflag:$0x3] =	stream.linear.gather @!p2 [hbm4b:s28+s29], $0x320, $0x38;
	[tilespmem:$0xF480] =	vst v63  }
.LBB2_12:
0x94: {  	_ =	swait.ge [sflag:s21], $0x6400  }
0x95: {  	[sflag:s21] =	ssyncset.done $0x0  }
0x96: {  	s28 =	simm.s32 $0x0;
	[sflag:s21] =	ssyncadd.s32 $0xFFFF9C00  }
0x97: {  	v1 =	vld [tilespmem:s28+$0x7080]  }
0x98: {  	v2 =	vld [tilespmem:s28+$0x7090]  }
0x99: {  	v3 =	vld [tilespmem:s28+$0x70A0]  }
0x9a: {  	v4 =	vld [tilespmem:s28+$0x70B0]  }
0x9b: {  	v10 =	vld [tilespmem:s28+$0x8990]  }
0x9c: {  	v14 =	vld [tilespmem:s28+$0x89B0]  }
0x9d: {  	v0 =	vimm.f32 $0.0e+00;
	v12 =	vimm.f32 $0.0e+00;
	v13 =	vimm.f32 $0.0e+00;
	v9 =	vld [tilespmem:s28+$0x8980]  }
0x9e: {  	v5 =	vshll.u32 v1, $0x10;
	v6 =	vshll.u32 v2, $0x10;
	v1 =	vadd.f32 v1, v0  }
0x9f: {  	v11 =	vld [tilespmem:s28+$0x89A0];
	v7 =	vshll.u32 v3, $0x10;
	v2 =	vadd.f32 v2, v0;
	v5 =	vadd.f32 v5, v0  }
0xa0: {  	v8 =	vshll.u32 v4, $0x10;
	v21 =	vadd.f32 v10, v0;
	v6 =	vadd.f32 v6, v0  }
0xa1: {  	v22 =	vshll.u32 v14, $0x10;
	v5 =	vadd.f32 v7, v5;
	v7 =	vadd.f32 v3, v1  }
0xa2: {  	v18 =	vld [tilespmem:s28+$0xA280];
	v8 =	vadd.f32 v8, v6;
	v1 =	vshll.u32 v9, $0x10;
	v6 =	vadd.f32 v4, v2  }
0xa3: {  	v19 =	vld [tilespmem:s28+$0xA290];
	v2 =	vshll.u32 v10, $0x10;
	v3 =	vadd.f32 v9, v0;
	v4 =	vimm.f32 $0.0e+00  }
0xa4: {  	v15 =	vld [tilespmem:s28+$0xA2A0];
	v1 =	vadd.f32 v1, v0;
	v20 =	vadd.f32 v2, v0;
	v2 =	vshll.u32 v11, $0x10  }
0xa5: {  	v16 =	vld [tilespmem:s28+$0xA2B0];
	v9 =	vadd.f32 v11, v3;
	v11 =	vimm.f32 $0.0e+00;
	v3 =	vimm.f32 $0.0e+00  }
0xa6: {  	s29 =	simm.s32 $0x100;
	v17 =	vld [tilespmem:s28+$0xBB80];
	v10 =	vadd.f32 v2, v1;
	v2 =	vimm.f32 $0.0e+00;
	v1 =	vimm.f32 $0.0e+00  }
.LBB2_13:
0xa7: {  	p2 =	sne.s32 s29, $0x6300;
	v20 =	vadd.f32 v22, v20;
	v21 =	vadd.f32 v14, v21;
	v14 =	vshll.u32 v18, $0x10;
	v22 =	vld [tilespmem:s28+$0xBB90]  }
0xa8: {  	v12 =	vadd.f32 v18, v12;
	v0 =	vadd.f32 v14, v0;
	v14 =	vshll.u32 v19, $0x10;
	v18 =	vld [tilespmem:s28+$0xBBA0]  }
0xa9: {  	v11 =	vadd.f32 v19, v11;
	v13 =	vadd.f32 v14, v13;
	v14 =	vshll.u32 v15, $0x10;
	v19 =	vld [tilespmem:s28+$0xBBB0];
	s28 =	sshra.s32 s29, $0x2  }
0xaa: {  	v12 =	vadd.f32 v15, v12;
	v23 =	vld [tilespmem:s28+$0x7080];
	v0 =	vadd.f32 v14, v0;
	v14 =	vshll.u32 v16, $0x10  }
0xab: {  	v11 =	vadd.f32 v16, v11;
	v15 =	vld [tilespmem:s28+$0x7090];
	v13 =	vadd.f32 v14, v13;
	v14 =	vshll.u32 v17, $0x10  }
0xac: {  	v4 =	vadd.f32 v17, v4;
	v16 =	vld [tilespmem:s28+$0x70A0];
	v3 =	vadd.f32 v14, v3;
	v14 =	vshll.u32 v22, $0x10  }
0xad: {  	v1 =	vadd.f32 v22, v1;
	v17 =	vld [tilespmem:s28+$0x70B0];
	v2 =	vadd.f32 v14, v2;
	v14 =	vshll.u32 v18, $0x10  }
0xae: {  	v4 =	vadd.f32 v18, v4;
	v22 =	vld [tilespmem:s28+$0x8980];
	v3 =	vadd.f32 v14, v3;
	v14 =	vshll.u32 v19, $0x10  }
0xaf: {  	v1 =	vadd.f32 v19, v1;
	v18 =	vshll.u32 v23, $0x10;
	v24 =	vld [tilespmem:s28+$0x8990];
	v2 =	vadd.f32 v14, v2  }
0xb0: {  	v7 =	vadd.f32 v23, v7;
	v5 =	vadd.f32 v18, v5;
	v14 =	vshll.u32 v15, $0x10;
	v23 =	vld [tilespmem:s28+$0x89A0]  }
0xb1: {  	v6 =	vadd.f32 v15, v6;
	v8 =	vadd.f32 v14, v8;
	v15 =	vshll.u32 v16, $0x10;
	v14 =	vld [tilespmem:s28+$0x89B0]  }
.Ltmp9:
0xb2: {  	v7 =	vadd.f32 v16, v7;
	v5 =	vadd.f32 v15, v5;
	v15 =	vshll.u32 v17, $0x10;
	v18 =	vld [tilespmem:s28+$0xA280];
	(pc) =	sbr.rel @p2 .LBB2_13-.Ltmp9, $4  }
0xb3: {  	v6 =	vadd.f32 v17, v6;
	v8 =	vadd.f32 v15, v8;
	v15 =	vshll.u32 v22, $0x10;
	v19 =	vld [tilespmem:s28+$0xA290]  }
0xb4: {  	v9 =	vadd.f32 v22, v9;
	v10 =	vadd.f32 v15, v10;
	v16 =	vshll.u32 v24, $0x10;
	v15 =	vld [tilespmem:s28+$0xA2A0]  }
0xb5: {  	v21 =	vadd.f32 v24, v21;
	v20 =	vadd.f32 v16, v20;
	v17 =	vshll.u32 v23, $0x10;
	v16 =	vld [tilespmem:s28+$0xA2B0]  }
0xb6: {  	s29 =	sadd.s32 $0x100, s29;
	v9 =	vadd.f32 v23, v9;
	v10 =	vadd.f32 v17, v10;
	v22 =	vshll.u32 v14, $0x10;
	v17 =	vld [tilespmem:s28+$0xBB80]  }
0xb7: {  	v23 =	vld [tilespmem:s28+$0xBB90]  }
0xb8: {  	v24 =	vld [tilespmem:s28+$0xBBA0]  }
0xb9: {  	v25 =	vld [tilespmem:s28+$0xBBB0];
	[tilespmem:s26+$0xD580] =	vst v5  }
0xba: {  	[tilespmem:s26+$0xD590] =	vst v7  }
0xbb: {  	[tilespmem:s26+$0xD5A0] =	vst v8  }
0xbc: {  	[tilespmem:s26+$0xD5B0] =	vst v6  }
0xbd: {  	v49 =	vadd.f32 v22, v20;
	v50 =	vshll.u32 v18, $0x10;
	v53 =	vadd.f32 v18, v12;
	[tilespmem:s26+$0xD5C0] =	vst v10  }
0xbe: {  	v51 =	vadd.f32 v14, v21;
	v0 =	vadd.f32 v50, v0;
	v52 =	vshll.u32 v19, $0x10;
	[tilespmem:s26+$0xD5D0] =	vst v9  }
0xbf: {  	v55 =	vadd.f32 v19, v11;
	v54 =	vshll.u32 v15, $0x10;
	[tilespmem:s26+$0xD5E0] =	vst v49;
	v57 =	vadd.f32 v15, v53  }
0xc0: {  	v7 =	vadd.f32 v52, v13;
	[tilespmem:s26+$0xD5F0] =	vst v51;
	v0 =	vadd.f32 v54, v0;
	v56 =	vshll.u32 v16, $0x10  }
0xc1: {  	v59 =	vadd.f32 v16, v55;
	v58 =	vshll.u32 v17, $0x10;
	v60 =	vadd.f32 v17, v4;
	[tilespmem:s26+$0xD610] =	vst v57  }
0xc2: {  	v7 =	vadd.f32 v56, v7;
	v3 =	vadd.f32 v58, v3;
	[tilespmem:s26+$0xD600] =	vst v0;
	v61 =	vshll.u32 v23, $0x10  }
0xc3: {  	v62 =	vshll.u32 v24, $0x10;
	v1 =	vadd.f32 v23, v1;
	[tilespmem:s26+$0xD630] =	vst v59;
	v0 =	vadd.f32 v24, v60  }
.Ltmp10:
0xc4: {  	v2 =	vadd.f32 v61, v2;
	[tilespmem:s26+$0xD620] =	vst v7;
	v3 =	vadd.f32 v62, v3;
	(pc) =	sbr.rel @p0 .LBB2_18-.Ltmp10, $4  }
0xc5: {  	v63 =	vshll.u32 v25, $0x10;
	v1 =	vadd.f32 v25, v1;
	[tilespmem:s26+$0xD650] =	vst v0  }
0xc6: {  	v2 =	vadd.f32 v63, v2;
	[tilespmem:s26+$0xD640] =	vst v3  }
0xc7: {  	[tilespmem:s26+$0xD670] =	vst v1  }
0xc8: {  	[tilespmem:s26+$0xD660] =	vst v2  }
0xc9: {  	_ =	swait.ge [sflag:s17], $0x320  }
0xca: {  	[sflag:s17] =	ssyncset.done $0x0  }
0xcb: {  	s26 =	simm.s32 $0x0;
	[sflag:s17] =	ssyncadd.s32 $0xFFFFFCE0  }
0xcc: {  	v0 =	vld [tilespmem:s26+$0x320];
	_ =	sdelay $0x2  }
0xcd: {  	s28 =	simm.s32 $0x40  }
.LBB2_16:
0xce: {  	p0 =	sne.s32 s28, $0xC40  }
.Ltmp11:
0xcf: {  	s29 =	sshra.s32 s28, $0x2;
	s28 =	sadd.s32 $0x40, s28;
	v1 =	vshll.u32 v0, $0x2;
	(pc) =	sbr.rel @p0 .LBB2_16-.Ltmp11, $4  }
0xd0: {  	v2 =	vand.u32 $0xFFFF8000, v0;
	v3 =	vshrl.u32 v0, $0xD;
	v1 =	vand.u32 $0x7FFC, v1;
	v0 =	vld [tilespmem:s29+$0x320]  }
0xd1: {  	v1 =	vor.u32 v2, v1;
	v2 =	vand.u32 $0x3, v3  }
0xd2: {  	v1 =	vor.u32 v2, v1  }
0xd3: {  	[tilespmem:s26+$0x960] =	vst v1;
	s26 =	smov.u32 s29  }
0xd4: {  	_ = 	snop  }
0xd5: {  	v1 =	vshll.u32 v0, $0x2  }
.Ltmp12:
0xd6: {  	v2 =	vand.u32 $0xFFFF8000, v0;
	v63 =	vshrl.u32 v0, $0xD;
	v1 =	vand.u32 $0x7FFC, v1;
	(pc) =	sbr.rel .LBB2_18-.Ltmp12, $4  }
0xd7: {  	v0 =	vand.u32 $0x3, v63;
	v1 =	vor.u32 v2, v1  }
0xd8: {  	v0 =	vor.u32 v0, v1  }
0xd9: {  	[tilespmem:s26+$0x960] =	vst v0  }
0xda: {  	[tilespmem:s19], [sflag:$0x2] =	stream.indirect.gather [hbm4b:s4+s13], $0x20, s18, s13, $0xb8;
	[tilespmem:$0xF480] =	vst v63  }
.LBB2_20:
0xdb: {  	_ =	sfence.sel $0x180000  }
0xdc: {  	[bflag:$0x0] =	sbarrier.arrive $0xFFFF  }
0xdd: {  	p0 =	sne.s32 s0, $0x0;
	_ =	strace $0x90000047  }
0xde: {  	s0 =	sadd.s32 @!p0 $0x100000, s1;
	[bflag:$0x2] =	sbarrier.arrive $0xFFFF  }
0xdf: {  	[sflag:s0] =	ssyncadd.tile.s32 @!p0 $0x1;
	_ =	shalt  }
.Lfunc_end2:
_tile_overlayer_lowered:
.L_overlay_start_2:
0xe0: {  	(tag) =	ssettag $0x2  }
0xe1: {  	s0 =	rddreg [dreg:$0x0];
	s2 =	stileid.u32  }
0xe2: {  	s1 =	rddreg [dreg:$0x1];
	p0 =	sne.s32 s2, $0x0  }
0xe3: {  	s3 =	rddreg [dreg:$0x2];
	[bflag:$0x3] =	sbarrier.arrive $0xFFFF;
	s2 =	simm.s32 @!p0 $0x1C05  }
0xe4: {  	[timem:s3], [sflag:s2] =	dma.local @!p0 [hbm:s0], s1  }
0xe5: {  	s0 =	simm.s32 @!p0 $0x5  }
0xe6: {  	_ =	swait.ge @!p0 [sflag:s0], s1  }
0xe7: {  	s1 =	ssub.s32 @!p0 $0x0, s1;
	[sflag:s0] =	ssyncset.done @!p0 $0x0  }
0xe8: {  	[sflag:s0] =	ssyncadd.s32 @!p0 s1  }
0xe9: {  	[bflag:$0x3] =	sbarrier.arrive $0xFFFF  }
0xea: {  	_ =	shalt  }

</sc_bundles>
